<compile_context>
chip_gen: v7x
topology: tpu7x:2x2x1
jax: 0.10.2.dev20260603
libtpu: 0.0.44.dev20260713+nightly
codegen_flags: <defaults>
</compile_context>

<pallas_src>
import jax
import jax.numpy as jnp
from jax import lax
from jax.experimental import pallas as pl
from jax.experimental.pallas import tpu as pltpu
from jax.experimental.pallas import tpu_sc as plsc

_IGNORE_INDEX = 10

_NC = 2
_NS = 16
_NW = _NC * _NS
_L = 16

_CB = 8
_NQ = 4
_MAXK = 16


def _make_sc_kernel(N, C):
    NB = N // _NQ
    n_tile_rows = C // _CB
    assert C % _CB == 0 and N % (_NQ * 128) == 0 and NB % _L == 0
    n_cg = NB // _L
    assert n_cg % 4 == 0
    assert _MAXK * 8 >= n_tile_rows
    assert 7 + 8 * (_MAXK - 3) < n_tile_rows

    mesh = plsc.VectorSubcoreMesh(core_axis_name="c", subcore_axis_name="s")

    @pl.kernel(
        mesh=mesh,
        compiler_params=pltpu.CompilerParams(use_tc_tiling_on_sc=True),
        out_type=jax.ShapeDtypeStruct((C, N), jnp.float32),
        scratch_types=[
            pltpu.VMEM((_CB, NB), jnp.float32),
            pltpu.VMEM((_CB, NB), jnp.float32),
            pltpu.VMEM((NB,), jnp.int32),
            pltpu.VMEM((NB,), jnp.float32),
            pltpu.SemaphoreType.DMA,
            pltpu.SemaphoreType.DMA,
        ],
    )
    def kern(tgt_hbm, grd_hbm, out_hbm, buf0, buf1, tgt_v, grd_v,
             sem0, sem1):
        worker = lax.axis_index("s") * _NC + lax.axis_index("c")
        q = worker % _NQ
        jgrp = worker // _NQ
        col_base = q * NB

        pltpu.sync_copy(tgt_hbm.at[pl.ds(col_base, NB)], tgt_v)
        pltpu.sync_copy(grd_hbm.at[pl.ds(col_base, NB)], grd_v)

        zeros16 = jnp.zeros((_L,), jnp.float32)
        bufs = (buf0, buf1)
        sems = (sem0, sem1)

        def build_and_send(k, buf, sem):
            tile_row = jgrp + 8 * k
            j0 = tile_row * _CB

            @pl.when(tile_row < n_tile_rows)
            def _():
                @pl.when(k >= 2)
                def _():
                    pltpu.make_async_copy(
                        buf,
                        out_hbm.at[pl.ds((jgrp + 8 * (k - 2)) * _CB, _CB),
                                   pl.ds(col_base, NB)],
                        sem).wait()

                def cg_step(cg, carry):
                    base = cg * (4 * _L)
                    for u in range(4):
                        off = base + u * _L
                        t = tgt_v[pl.ds(off, _L)]
                        g = grd_v[pl.ds(off, _L)]
                        for s in range(_CB):
                            buf[s, pl.ds(off, _L)] = jnp.where(
                                t == j0 + s, g, zeros16)
                    return carry

                lax.fori_loop(0, n_cg // 4, cg_step, 0)
                pltpu.async_copy(
                    buf,
                    out_hbm.at[pl.ds(j0, _CB), pl.ds(col_base, NB)],
                    sem)

        def step(k, carry):
            @pl.when(k % 2 == 0)
            def _():
                build_and_send(k, buf0, sem0)

            @pl.when(k % 2 == 1)
            def _():
                build_and_send(k, buf1, sem1)

            return carry

        lax.fori_loop(0, _MAXK, step, 0)

        def drain(k, buf, sem):
            tile_row = jgrp + 8 * k
            pltpu.make_async_copy(
                buf,
                out_hbm.at[pl.ds(tile_row * _CB, _CB),
                           pl.ds(col_base, NB)],
                sem).wait()

        drain(_MAXK - 4, buf0, sem0)
        drain(_MAXK - 3, buf1, sem1)

    return kern


def kernel(grad_output, input, target, total_weight):
    N, C = input.shape
    t = target.astype(jnp.int32)
    g = grad_output.astype(jnp.float32)
    g2 = jnp.where(t != _IGNORE_INDEX, -g, jnp.zeros_like(g))
    out_t = _make_sc_kernel(N, C)(t, g2)
    return out_t.T

# --- scband reference (transcript-rebuilt; emitter-appended) ---
"""Pipeline reference for scband-nll-loss-module-backward-45621142618474 (READ-ONLY COPY).

The authoritative reference and input builder live on the scoring server;
editing this copy changes nothing except your own understanding.
"""

import jax, jax.numpy as jnp
import numpy as np

IGNORE_INDEX = 10

def setup_inputs(seed: int = 0) -> dict:
    key = jax.random.key(seed)
    k1, k2, k3 = jax.random.split(key, 3)
    N, C = 16384, 1000
    grad_output = jax.random.normal(k1, (N,), dtype=jnp.float32)
    inp = jax.random.normal(k2, (N, C), dtype=jnp.float32)
    target = jax.random.randint(k3, (N,), 0, C)
    total_weight = jnp.ones((), dtype=jnp.float32)
    return {"grad_output": grad_output, "input": inp, "target": target, "total_weight": total_weight}

def reference(grad_output, input, target, total_weight):
    # aten.nll_loss_backward with weight=None, reduction=0 (none), ignore_index=10.
    # grad_input[i, target[i]] = -grad_output[i] for valid rows; 0 elsewhere.
    # total_weight is unused when reduction == none (kept for signature fidelity).
    N, C = input.shape
    valid = target != IGNORE_INDEX
    safe_t = jnp.where(valid, target, 0)
    vals = jnp.where(valid, -grad_output, jnp.zeros_like(grad_output))
    grad_input = jnp.zeros_like(input).at[jnp.arange(N), safe_t].add(vals)
    return grad_input

if __name__ == "__main__":
    import jax
    _d = setup_inputs()
    print(jax.jit(kernel)(*tuple(_d.values())))

</pallas_src>

<mosaic_0001>
#map = affine_map<(d0, d1) -> (0)>
#map1 = affine_map<(d0, d1) -> (0, 0)>
module attributes {stable_mosaic.version = 14 : i64} {
  func.func @kern(%arg0: i32, %arg1: i32, %arg2: memref<16384xi32, #tpu.memory_space<hbm>>, %arg3: memref<16384xf32, #tpu.memory_space<hbm>>, %arg4: memref<1000x16384xf32, #tpu.memory_space<hbm>>, %arg5: memref<8x4096xf32, #tpu.memory_space<vmem>>, %arg6: memref<8x4096xf32, #tpu.memory_space<vmem>>, %arg7: memref<4096xi32, #tpu.memory_space<vmem>>, %arg8: memref<4096xf32, #tpu.memory_space<vmem>>, %arg9: memref<!tpu.dma_semaphore, #tpu.memory_space<semaphore_mem>>, %arg10: memref<!tpu.dma_semaphore, #tpu.memory_space<semaphore_mem>>) attributes {dimension_semantics = [#tpu.dimension_semantics<core_parallel>, #tpu.dimension_semantics<subcore_parallel>], iteration_bounds = array<i64: 2, 16>, scalar_prefetch = 0 : i64, scratch_operands = 6 : i64, tpu.core_type = #tpu.core_type<sc_vector_subcore>, window_params = [{transform_indices = #map}, {transform_indices = #map}, {transform_indices = #map1}]} {
    %mul3A = arith.constant 2 : i32
    %mul3A_0 = arith.muli %arg1, %mul3A : i32
    %add3A = arith.addi %mul3A_0, %arg0 : i32
    %jit3A = arith.constant 4 : i32
    %eq3A = arith.constant 0 : i32
    %eq3A_1 = arith.cmpi eq, %jit3A, %eq3A : i32
    %jit3A_2 = arith.constant 1 : i32
    %select_n3A = arith.select %eq3A_1, %jit3A_2, %jit3A : i32
    %rem3A = arith.remsi %add3A, %select_n3A : i32
    %ne3A = arith.constant 0 : i32
    %ne3A_3 = arith.cmpi ne, %rem3A, %ne3A : i32
    %lt3A = arith.constant 0 : i32
    %lt3A_4 = arith.cmpi slt, %rem3A, %lt3A : i32
    %lt3A_5 = arith.constant 0 : i32
    %lt3A_6 = arith.cmpi slt, %select_n3A, %lt3A_5 : i32
    %ne3A_7 = arith.xori %lt3A_4, %lt3A_6 : i1
    %and3A = arith.andi %ne3A_7, %ne3A_3 : i1
    %add3A_8 = arith.addi %rem3A, %select_n3A : i32
    %select_n3A_9 = arith.select %and3A, %add3A_8, %rem3A : i32
    %jit3A_10 = arith.constant 4 : i32
    %div3A = arith.divsi %add3A, %jit3A_10 : i32
    %sign3A = arith.constant 0 : i32
    %sign3A_11 = arith.cmpi sgt, %add3A, %sign3A : i32
    %sign3A_12 = arith.extui %sign3A_11 : i1 to i32
    %sign3A_13 = arith.constant 0 : i32
    %sign3A_14 = arith.cmpi slt, %add3A, %sign3A_13 : i32
    %sign3A_15 = arith.extui %sign3A_14 : i1 to i32
    %sign3A_16 = arith.subi %sign3A_12, %sign3A_15 : i32
    %sign3A_17 = arith.constant 0 : i32
    %sign3A_18 = arith.cmpi sgt, %jit3A_10, %sign3A_17 : i32
    %sign3A_19 = arith.extui %sign3A_18 : i1 to i32
    %sign3A_20 = arith.constant 0 : i32
    %sign3A_21 = arith.cmpi slt, %jit3A_10, %sign3A_20 : i32
    %sign3A_22 = arith.extui %sign3A_21 : i1 to i32
    %sign3A_23 = arith.subi %sign3A_19, %sign3A_22 : i32
    %ne3A_24 = arith.cmpi ne, %sign3A_16, %sign3A_23 : i32
    %rem3A_25 = arith.remsi %add3A, %jit3A_10 : i32
    %ne3A_26 = arith.constant 0 : i32
    %ne3A_27 = arith.cmpi ne, %rem3A_25, %ne3A_26 : i32
    %and3A_28 = arith.andi %ne3A_24, %ne3A_27 : i1
    %sub3A = arith.constant 1 : i32
    %sub3A_29 = arith.subi %div3A, %sub3A : i32
    %select_n3A_30 = arith.select %and3A_28, %sub3A_29, %div3A : i32
    %mul3A_31 = arith.constant 4096 : i32
    %mul3A_32 = arith.muli %select_n3A_9, %mul3A_31 : i32
    "tpu.region"() ({
      %run_scoped3A = tpu.sem_alloc : memref<!tpu.dma_semaphore, #tpu.memory_space<semaphore_mem>>
      %dma_start3A = tpu.memref_slice %arg2[%mul3A_32] : memref<16384xi32, #tpu.memory_space<hbm>> -> memref<4096xi32, #tpu.memory_space<hbm>>
      %dma_start3A_50 = tpu.memref_slice %arg2[%mul3A_32] : memref<16384xi32, #tpu.memory_space<hbm>> -> memref<4096xi32, #tpu.memory_space<hbm>>
      tpu.enqueue_dma source(%dma_start3A_50 : memref<4096xi32, #tpu.memory_space<hbm>>) target(%arg7 : memref<4096xi32, #tpu.memory_space<vmem>>) target_semaphore(%run_scoped3A : memref<!tpu.dma_semaphore, #tpu.memory_space<semaphore_mem>>)
      %dma_wait3A_51 = tpu.memref_slice %arg2[%mul3A_32] : memref<16384xi32, #tpu.memory_space<hbm>> -> memref<4096xi32, #tpu.memory_space<hbm>>
      %dma_wait3A_52 = tpu.memref_slice %arg2[%mul3A_32] : memref<16384xi32, #tpu.memory_space<hbm>> -> memref<4096xi32, #tpu.memory_space<hbm>>
      tpu.wait_dma2 semaphore(%run_scoped3A : memref<!tpu.dma_semaphore, #tpu.memory_space<semaphore_mem>>) src(%dma_wait3A_52 : memref<4096xi32, #tpu.memory_space<hbm>>) dst(%arg7 : memref<4096xi32, #tpu.memory_space<vmem>>)
      tpu.yield
    }) : () -> ()
    "tpu.region"() ({
      %run_scoped3A = tpu.sem_alloc : memref<!tpu.dma_semaphore, #tpu.memory_space<semaphore_mem>>
      %dma_start3A = tpu.memref_slice %arg3[%mul3A_32] : memref<16384xf32, #tpu.memory_space<hbm>> -> memref<4096xf32, #tpu.memory_space<hbm>>
      %dma_start3A_50 = tpu.memref_slice %arg3[%mul3A_32] : memref<16384xf32, #tpu.memory_space<hbm>> -> memref<4096xf32, #tpu.memory_space<hbm>>
      tpu.enqueue_dma source(%dma_start3A_50 : memref<4096xf32, #tpu.memory_space<hbm>>) target(%arg8 : memref<4096xf32, #tpu.memory_space<vmem>>) target_semaphore(%run_scoped3A : memref<!tpu.dma_semaphore, #tpu.memory_space<semaphore_mem>>)
      %dma_wait3A_51 = tpu.memref_slice %arg3[%mul3A_32] : memref<16384xf32, #tpu.memory_space<hbm>> -> memref<4096xf32, #tpu.memory_space<hbm>>
      %dma_wait3A_52 = tpu.memref_slice %arg3[%mul3A_32] : memref<16384xf32, #tpu.memory_space<hbm>> -> memref<4096xf32, #tpu.memory_space<hbm>>
      tpu.wait_dma2 semaphore(%run_scoped3A : memref<!tpu.dma_semaphore, #tpu.memory_space<semaphore_mem>>) src(%dma_wait3A_52 : memref<4096xf32, #tpu.memory_space<hbm>>) dst(%arg8 : memref<4096xf32, #tpu.memory_space<vmem>>)
      tpu.yield
    }) : () -> ()
    %broadcast_in_dim3A = arith.constant 0.000000e+00 : f32
    %broadcast_in_dim3A_33 = vector.broadcast %broadcast_in_dim3A : f32 to vector<16xf32>
    %scan3A = arith.constant 0 : i32
    %scan3A_34 = arith.constant 0 : i32
    %scan3A_35 = arith.constant 16 : i32
    %scan3A_36 = arith.addi %scan3A_34, %scan3A_35 : i32
    %scan3A_37 = arith.constant 1 : i32
    scf.for %scan3A_50 = %scan3A_34 to %scan3A_36 step %scan3A_37  : i32 {
      %jit3A_51 = arith.constant 2 : i32
      %eq3A_52 = arith.constant 0 : i32
      %eq3A_53 = arith.cmpi eq, %jit3A_51, %eq3A_52 : i32
      %jit3A_54 = arith.constant 1 : i32
      %select_n3A_55 = arith.select %eq3A_53, %jit3A_54, %jit3A_51 : i32
      %rem3A_56 = arith.remsi %scan3A_50, %select_n3A_55 : i32
      %ne3A_57 = arith.constant 0 : i32
      %ne3A_58 = arith.cmpi ne, %rem3A_56, %ne3A_57 : i32
      %lt3A_59 = arith.constant 0 : i32
      %lt3A_60 = arith.cmpi slt, %rem3A_56, %lt3A_59 : i32
      %lt3A_61 = arith.constant 0 : i32
      %lt3A_62 = arith.cmpi slt, %select_n3A_55, %lt3A_61 : i32
      %ne3A_63 = arith.xori %lt3A_60, %lt3A_62 : i1
      %and3A_64 = arith.andi %ne3A_63, %ne3A_58 : i1
      %add3A_65 = arith.addi %rem3A_56, %select_n3A_55 : i32
      %select_n3A_66 = arith.select %and3A_64, %add3A_65, %rem3A_56 : i32
      %eq3A_67 = arith.constant 0 : i32
      %eq3A_68 = arith.cmpi eq, %select_n3A_66, %eq3A_67 : i32
      %convert_element_type3A = arith.extui %eq3A_68 : i1 to i32
      %cond3A = arith.constant 0 : i32
      %cond3A_69 = arith.cmpi ne, %convert_element_type3A, %cond3A : i32
      scf.if %cond3A_69 {
        %mul3A_91 = arith.constant 8 : i32
        %mul3A_92 = arith.muli %mul3A_91, %scan3A_50 : i32
        %add3A_93 = arith.addi %select_n3A_30, %mul3A_92 : i32
        %mul3A_94 = arith.constant 8 : i32
        %mul3A_95 = arith.muli %add3A_93, %mul3A_94 : i32
        %lt3A_96 = arith.constant 125 : i32
        %lt3A_97 = arith.cmpi slt, %add3A_93, %lt3A_96 : i32
        %convert_element_type3A_98 = arith.extui %lt3A_97 : i1 to i32
        %cond3A_99 = arith.constant 0 : i32
        %cond3A_100 = arith.cmpi ne, %convert_element_type3A_98, %cond3A_99 : i32
        scf.if %cond3A_100 {
          %ge3A = arith.constant 2 : i32
          %ge3A_101 = arith.cmpi sge, %scan3A_50, %ge3A : i32
          %convert_element_type3A_102 = arith.extui %ge3A_101 : i1 to i32
          %cond3A_103 = arith.constant 0 : i32
          %cond3A_104 = arith.cmpi ne, %convert_element_type3A_102, %cond3A_103 : i32
          scf.if %cond3A_104 {
            %sub3A_112 = arith.constant 2 : i32
            %sub3A_113 = arith.subi %scan3A_50, %sub3A_112 : i32
            %mul3A_114 = arith.constant 8 : i32
            %mul3A_115 = arith.muli %mul3A_114, %sub3A_113 : i32
            %add3A_116 = arith.addi %select_n3A_30, %mul3A_115 : i32
            %mul3A_117 = arith.constant 8 : i32
            %mul3A_118 = arith.muli %add3A_116, %mul3A_117 : i32
            %dma_wait3A_119 = tpu.memref_slice %arg4[%mul3A_118, %mul3A_32] : memref<1000x16384xf32, #tpu.memory_space<hbm>> -> memref<8x4096xf32, #tpu.memory_space<hbm>>
            %dma_wait3A_120 = tpu.memref_slice %arg4[%mul3A_118, %mul3A_32] : memref<1000x16384xf32, #tpu.memory_space<hbm>> -> memref<8x4096xf32, #tpu.memory_space<hbm>>
            tpu.wait_dma2 semaphore(%arg9 : memref<!tpu.dma_semaphore, #tpu.memory_space<semaphore_mem>>) src(%arg5 : memref<8x4096xf32, #tpu.memory_space<vmem>>) dst(%dma_wait3A_120 : memref<8x4096xf32, #tpu.memory_space<hbm>>)
          } else {
          }
          %scan3A_105 = arith.constant 0 : i32
          %scan3A_106 = arith.constant 0 : i32
          %scan3A_107 = arith.constant 64 : i32
          %scan3A_108 = arith.addi %scan3A_106, %scan3A_107 : i32
          %scan3A_109 = arith.constant 1 : i32
          scf.for %scan3A_112 = %scan3A_106 to %scan3A_108 step %scan3A_109  : i32 {
            %mul3A_113 = arith.constant 64 : i32
            %mul3A_114 = arith.muli %scan3A_112, %mul3A_113 : i32
            %add3A_115 = arith.constant 0 : i32
            %add3A_116 = arith.addi %mul3A_114, %add3A_115 : i32
            %get3A = arith.index_cast %add3A_116 : i32 to index
            %get3A_117 = tpu.vector_load %arg7[%get3A] {strides = array<i32>} : memref<4096xi32, #tpu.memory_space<vmem>>, vector<16xi32>,
            %get3A_118 = vector.shape_cast %get3A_117 : vector<16xi32> to vector<16xi32>
            %get3A_119 = arith.index_cast %add3A_116 : i32 to index
            %get3A_120 = tpu.vector_load %arg8[%get3A_119] {strides = array<i32>} : memref<4096xf32, #tpu.memory_space<vmem>>, vector<16xf32>,
            %get3A_121 = vector.shape_cast %get3A_120 : vector<16xf32> to vector<16xf32>
            %add3A_122 = arith.constant 0 : i32
            %add3A_123 = arith.addi %mul3A_95, %add3A_122 : i32
            %eq3A_124 = vector.broadcast %add3A_123 : i32 to vector<16xi32>
            %eq3A_125 = arith.cmpi eq, %get3A_118, %eq3A_124 : vector<16xi32>
            %select_n3A_126 = arith.select %eq3A_125, %get3A_121, %broadcast_in_dim3A_33 : vector<16xi1>, vector<16xf32>
            %swap3A = arith.constant 0 : i32
            %swap3A_127 = arith.index_cast %swap3A : i32 to index
            %swap3A_128 = arith.index_cast %add3A_116 : i32 to index
            %swap3A_129 = tpu.vector_load %arg5[%swap3A_127, %swap3A_128] {strides = array<i32>} : memref<8x4096xf32, #tpu.memory_space<vmem>>, vector<1x16xf32>,
            %swap3A_130 = vector.shape_cast %swap3A_129 : vector<1x16xf32> to vector<16xf32>
            %swap3A_131 = vector.shape_cast %select_n3A_126 : vector<16xf32> to vector<1x16xf32>
            tpu.vector_store %arg5[%swap3A_127, %swap3A_128], %swap3A_131 {strides = array<i32>} : memref<8x4096xf32, #tpu.memory_space<vmem>>, vector<1x16xf32>,
            %add3A_132 = arith.constant 1 : i32
            %add3A_133 = arith.addi %mul3A_95, %add3A_132 : i32
            %eq3A_134 = vector.broadcast %add3A_133 : i32 to vector<16xi32>
            %eq3A_135 = arith.cmpi eq, %get3A_118, %eq3A_134 : vector<16xi32>
            %select_n3A_136 = arith.select %eq3A_135, %get3A_121, %broadcast_in_dim3A_33 : vector<16xi1>, vector<16xf32>
            %swap3A_137 = arith.constant 1 : i32
            %swap3A_138 = arith.index_cast %swap3A_137 : i32 to index
            %swap3A_139 = arith.index_cast %add3A_116 : i32 to index
            %swap3A_140 = tpu.vector_load %arg5[%swap3A_138, %swap3A_139] {strides = array<i32>} : memref<8x4096xf32, #tpu.memory_space<vmem>>, vector<1x16xf32>,
            %swap3A_141 = vector.shape_cast %swap3A_140 : vector<1x16xf32> to vector<16xf32>
            %swap3A_142 = vector.shape_cast %select_n3A_136 : vector<16xf32> to vector<1x16xf32>
            tpu.vector_store %arg5[%swap3A_138, %swap3A_139], %swap3A_142 {strides = array<i32>} : memref<8x4096xf32, #tpu.memory_space<vmem>>, vector<1x16xf32>,
            %add3A_143 = arith.constant 2 : i32
            %add3A_144 = arith.addi %mul3A_95, %add3A_143 : i32
            %eq3A_145 = vector.broadcast %add3A_144 : i32 to vector<16xi32>
            %eq3A_146 = arith.cmpi eq, %get3A_118, %eq3A_145 : vector<16xi32>
            %select_n3A_147 = arith.select %eq3A_146, %get3A_121, %broadcast_in_dim3A_33 : vector<16xi1>, vector<16xf32>
            %swap3A_148 = arith.constant 2 : i32
            %swap3A_149 = arith.index_cast %swap3A_148 : i32 to index
            %swap3A_150 = arith.index_cast %add3A_116 : i32 to index
            %swap3A_151 = tpu.vector_load %arg5[%swap3A_149, %swap3A_150] {strides = array<i32>} : memref<8x4096xf32, #tpu.memory_space<vmem>>, vector<1x16xf32>,
            %swap3A_152 = vector.shape_cast %swap3A_151 : vector<1x16xf32> to vector<16xf32>
            %swap3A_153 = vector.shape_cast %select_n3A_147 : vector<16xf32> to vector<1x16xf32>
            tpu.vector_store %arg5[%swap3A_149, %swap3A_150], %swap3A_153 {strides = array<i32>} : memref<8x4096xf32, #tpu.memory_space<vmem>>, vector<1x16xf32>,
            %add3A_154 = arith.constant 3 : i32
            %add3A_155 = arith.addi %mul3A_95, %add3A_154 : i32
            %eq3A_156 = vector.broadcast %add3A_155 : i32 to vector<16xi32>
            %eq3A_157 = arith.cmpi eq, %get3A_118, %eq3A_156 : vector<16xi32>
            %select_n3A_158 = arith.select %eq3A_157, %get3A_121, %broadcast_in_dim3A_33 : vector<16xi1>, vector<16xf32>
            %swap3A_159 = arith.constant 3 : i32
            %swap3A_160 = arith.index_cast %swap3A_159 : i32 to index
            %swap3A_161 = arith.index_cast %add3A_116 : i32 to index
            %swap3A_162 = tpu.vector_load %arg5[%swap3A_160, %swap3A_161] {strides = array<i32>} : memref<8x4096xf32, #tpu.memory_space<vmem>>, vector<1x16xf32>,
            %swap3A_163 = vector.shape_cast %swap3A_162 : vector<1x16xf32> to vector<16xf32>
            %swap3A_164 = vector.shape_cast %select_n3A_158 : vector<16xf32> to vector<1x16xf32>
            tpu.vector_store %arg5[%swap3A_160, %swap3A_161], %swap3A_164 {strides = array<i32>} : memref<8x4096xf32, #tpu.memory_space<vmem>>, vector<1x16xf32>,
            %add3A_165 = arith.constant 4 : i32
            %add3A_166 = arith.addi %mul3A_95, %add3A_165 : i32
            %eq3A_167 = vector.broadcast %add3A_166 : i32 to vector<16xi32>
            %eq3A_168 = arith.cmpi eq, %get3A_118, %eq3A_167 : vector<16xi32>
            %select_n3A_169 = arith.select %eq3A_168, %get3A_121, %broadcast_in_dim3A_33 : vector<16xi1>, vector<16xf32>
            %swap3A_170 = arith.constant 4 : i32
            %swap3A_171 = arith.index_cast %swap3A_170 : i32 to index
            %swap3A_172 = arith.index_cast %add3A_116 : i32 to index
            %swap3A_173 = tpu.vector_load %arg5[%swap3A_171, %swap3A_172] {strides = array<i32>} : memref<8x4096xf32, #tpu.memory_space<vmem>>, vector<1x16xf32>,
            %swap3A_174 = vector.shape_cast %swap3A_173 : vector<1x16xf32> to vector<16xf32>
            %swap3A_175 = vector.shape_cast %select_n3A_169 : vector<16xf32> to vector<1x16xf32>
            tpu.vector_store %arg5[%swap3A_171, %swap3A_172], %swap3A_175 {strides = array<i32>} : memref<8x4096xf32, #tpu.memory_space<vmem>>, vector<1x16xf32>,
            %add3A_176 = arith.constant 5 : i32
            %add3A_177 = arith.addi %mul3A_95, %add3A_176 : i32
            %eq3A_178 = vector.broadcast %add3A_177 : i32 to vector<16xi32>
            %eq3A_179 = arith.cmpi eq, %get3A_118, %eq3A_178 : vector<16xi32>
            %select_n3A_180 = arith.select %eq3A_179, %get3A_121, %broadcast_in_dim3A_33 : vector<16xi1>, vector<16xf32>
            %swap3A_181 = arith.constant 5 : i32
            %swap3A_182 = arith.index_cast %swap3A_181 : i32 to index
            %swap3A_183 = arith.index_cast %add3A_116 : i32 to index
            %swap3A_184 = tpu.vector_load %arg5[%swap3A_182, %swap3A_183] {strides = array<i32>} : memref<8x4096xf32, #tpu.memory_space<vmem>>, vector<1x16xf32>,
            %swap3A_185 = vector.shape_cast %swap3A_184 : vector<1x16xf32> to vector<16xf32>
            %swap3A_186 = vector.shape_cast %select_n3A_180 : vector<16xf32> to vector<1x16xf32>
            tpu.vector_store %arg5[%swap3A_182, %swap3A_183], %swap3A_186 {strides = array<i32>} : memref<8x4096xf32, #tpu.memory_space<vmem>>, vector<1x16xf32>,
            %add3A_187 = arith.constant 6 : i32
            %add3A_188 = arith.addi %mul3A_95, %add3A_187 : i32
            %eq3A_189 = vector.broadcast %add3A_188 : i32 to vector<16xi32>
            %eq3A_190 = arith.cmpi eq, %get3A_118, %eq3A_189 : vector<16xi32>
            %select_n3A_191 = arith.select %eq3A_190, %get3A_121, %broadcast_in_dim3A_33 : vector<16xi1>, vector<16xf32>
            %swap3A_192 = arith.constant 6 : i32
            %swap3A_193 = arith.index_cast %swap3A_192 : i32 to index
            %swap3A_194 = arith.index_cast %add3A_116 : i32 to index
            %swap3A_195 = tpu.vector_load %arg5[%swap3A_193, %swap3A_194] {strides = array<i32>} : memref<8x4096xf32, #tpu.memory_space<vmem>>, vector<1x16xf32>,
            %swap3A_196 = vector.shape_cast %swap3A_195 : vector<1x16xf32> to vector<16xf32>
            %swap3A_197 = vector.shape_cast %select_n3A_191 : vector<16xf32> to vector<1x16xf32>
            tpu.vector_store %arg5[%swap3A_193, %swap3A_194], %swap3A_197 {strides = array<i32>} : memref<8x4096xf32, #tpu.memory_space<vmem>>, vector<1x16xf32>,
            %add3A_198 = arith.constant 7 : i32
            %add3A_199 = arith.addi %mul3A_95, %add3A_198 : i32
            %eq3A_200 = vector.broadcast %add3A_199 : i32 to vector<16xi32>
            %eq3A_201 = arith.cmpi eq, %get3A_118, %eq3A_200 : vector<16xi32>
            %select_n3A_202 = arith.select %eq3A_201, %get3A_121, %broadcast_in_dim3A_33 : vector<16xi1>, vector<16xf32>
            %swap3A_203 = arith.constant 7 : i32
            %swap3A_204 = arith.index_cast %swap3A_203 : i32 to index
            %swap3A_205 = arith.index_cast %add3A_116 : i32 to index
            %swap3A_206 = tpu.vector_load %arg5[%swap3A_204, %swap3A_205] {strides = array<i32>} : memref<8x4096xf32, #tpu.memory_space<vmem>>, vector<1x16xf32>,
            %swap3A_207 = vector.shape_cast %swap3A_206 : vector<1x16xf32> to vector<16xf32>
            %swap3A_208 = vector.shape_cast %select_n3A_202 : vector<16xf32> to vector<1x16xf32>
            tpu.vector_store %arg5[%swap3A_204, %swap3A_205], %swap3A_208 {strides = array<i32>} : memref<8x4096xf32, #tpu.memory_space<vmem>>, vector<1x16xf32>,
            %add3A_209 = arith.constant 16 : i32
            %add3A_210 = arith.addi %mul3A_114, %add3A_209 : i32
            %get3A_211 = arith.index_cast %add3A_210 : i32 to index
            %get3A_212 = tpu.vector_load %arg7[%get3A_211] {strides = array<i32>} : memref<4096xi32, #tpu.memory_space<vmem>>, vector<16xi32>,
            %get3A_213 = vector.shape_cast %get3A_212 : vector<16xi32> to vector<16xi32>
            %get3A_214 = arith.index_cast %add3A_210 : i32 to index
            %get3A_215 = tpu.vector_load %arg8[%get3A_214] {strides = array<i32>} : memref<4096xf32, #tpu.memory_space<vmem>>, vector<16xf32>,
            %get3A_216 = vector.shape_cast %get3A_215 : vector<16xf32> to vector<16xf32>
            %add3A_217 = arith.constant 0 : i32
            %add3A_218 = arith.addi %mul3A_95, %add3A_217 : i32
            %eq3A_219 = vector.broadcast %add3A_218 : i32 to vector<16xi32>
            %eq3A_220 = arith.cmpi eq, %get3A_213, %eq3A_219 : vector<16xi32>
            %select_n3A_221 = arith.select %eq3A_220, %get3A_216, %broadcast_in_dim3A_33 : vector<16xi1>, vector<16xf32>
            %swap3A_222 = arith.constant 0 : i32
            %swap3A_223 = arith.index_cast %swap3A_222 : i32 to index
            %swap3A_224 = arith.index_cast %add3A_210 : i32 to index
            %swap3A_225 = tpu.vector_load %arg5[%swap3A_223, %swap3A_224] {strides = array<i32>} : memref<8x4096xf32, #tpu.memory_space<vmem>>, vector<1x16xf32>,
            %swap3A_226 = vector.shape_cast %swap3A_225 : vector<1x16xf32> to vector<16xf32>
            %swap3A_227 = vector.shape_cast %select_n3A_221 : vector<16xf32> to vector<1x16xf32>
            tpu.vector_store %arg5[%swap3A_223, %swap3A_224], %swap3A_227 {strides = array<i32>} : memref<8x4096xf32, #tpu.memory_space<vmem>>, vector<1x16xf32>,
            %add3A_228 = arith.constant 1 : i32
            %add3A_229 = arith.addi %mul3A_95, %add3A_228 : i32
            %eq3A_230 = vector.broadcast %add3A_229 : i32 to vector<16xi32>
            %eq3A_231 = arith.cmpi eq, %get3A_213, %eq3A_230 : vector<16xi32>
            %select_n3A_232 = arith.select %eq3A_231, %get3A_216, %broadcast_in_dim3A_33 : vector<16xi1>, vector<16xf32>
            %swap3A_233 = arith.constant 1 : i32
            %swap3A_234 = arith.index_cast %swap3A_233 : i32 to index
            %swap3A_235 = arith.index_cast %add3A_210 : i32 to index
            %swap3A_236 = tpu.vector_load %arg5[%swap3A_234, %swap3A_235] {strides = array<i32>} : memref<8x4096xf32, #tpu.memory_space<vmem>>, vector<1x16xf32>,
            %swap3A_237 = vector.shape_cast %swap3A_236 : vector<1x16xf32> to vector<16xf32>
            %swap3A_238 = vector.shape_cast %select_n3A_232 : vector<16xf32> to vector<1x16xf32>
            tpu.vector_store %arg5[%swap3A_234, %swap3A_235], %swap3A_238 {strides = array<i32>} : memref<8x4096xf32, #tpu.memory_space<vmem>>, vector<1x16xf32>,
            %add3A_239 = arith.constant 2 : i32
            %add3A_240 = arith.addi %mul3A_95, %add3A_239 : i32
            %eq3A_241 = vector.broadcast %add3A_240 : i32 to vector<16xi32>
            %eq3A_242 = arith.cmpi eq, %get3A_213, %eq3A_241 : vector<16xi32>
            %select_n3A_243 = arith.select %eq3A_242, %get3A_216, %broadcast_in_dim3A_33 : vector<16xi1>, vector<16xf32>
            %swap3A_244 = arith.constant 2 : i32
            %swap3A_245 = arith.index_cast %swap3A_244 : i32 to index
            %swap3A_246 = arith.index_cast %add3A_210 : i32 to index
            %swap3A_247 = tpu.vector_load %arg5[%swap3A_245, %swap3A_246] {strides = array<i32>} : memref<8x4096xf32, #tpu.memory_space<vmem>>, vector<1x16xf32>,
            %swap3A_248 = vector.shape_cast %swap3A_247 : vector<1x16xf32> to vector<16xf32>
            %swap3A_249 = vector.shape_cast %select_n3A_243 : vector<16xf32> to vector<1x16xf32>
            tpu.vector_store %arg5[%swap3A_245, %swap3A_246], %swap3A_249 {strides = array<i32>} : memref<8x4096xf32, #tpu.memory_space<vmem>>, vector<1x16xf32>,
            %add3A_250 = arith.constant 3 : i32
            %add3A_251 = arith.addi %mul3A_95, %add3A_250 : i32
            %eq3A_252 = vector.broadcast %add3A_251 : i32 to vector<16xi32>
            %eq3A_253 = arith.cmpi eq, %get3A_213, %eq3A_252 : vector<16xi32>
            %select_n3A_254 = arith.select %eq3A_253, %get3A_216, %broadcast_in_dim3A_33 : vector<16xi1>, vector<16xf32>
            %swap3A_255 = arith.constant 3 : i32
            %swap3A_256 = arith.index_cast %swap3A_255 : i32 to index
            %swap3A_257 = arith.index_cast %add3A_210 : i32 to index
            %swap3A_258 = tpu.vector_load %arg5[%swap3A_256, %swap3A_257] {strides = array<i32>} : memref<8x4096xf32, #tpu.memory_space<vmem>>, vector<1x16xf32>,
            %swap3A_259 = vector.shape_cast %swap3A_258 : vector<1x16xf32> to vector<16xf32>
            %swap3A_260 = vector.shape_cast %select_n3A_254 : vector<16xf32> to vector<1x16xf32>
            tpu.vector_store %arg5[%swap3A_256, %swap3A_257], %swap3A_260 {strides = array<i32>} : memref<8x4096xf32, #tpu.memory_space<vmem>>, vector<1x16xf32>,
            %add3A_261 = arith.constant 4 : i32
            %add3A_262 = arith.addi %mul3A_95, %add3A_261 : i32
            %eq3A_263 = vector.broadcast %add3A_262 : i32 to vector<16xi32>
            %eq3A_264 = arith.cmpi eq, %get3A_213, %eq3A_263 : vector<16xi32>
            %select_n3A_265 = arith.select %eq3A_264, %get3A_216, %broadcast_in_dim3A_33 : vector<16xi1>, vector<16xf32>
            %swap3A_266 = arith.constant 4 : i32
            %swap3A_267 = arith.index_cast %swap3A_266 : i32 to index
            %swap3A_268 = arith.index_cast %add3A_210 : i32 to index
            %swap3A_269 = tpu.vector_load %arg5[%swap3A_267, %swap3A_268] {strides = array<i32>} : memref<8x4096xf32, #tpu.memory_space<vmem>>, vector<1x16xf32>,
            %swap3A_270 = vector.shape_cast %swap3A_269 : vector<1x16xf32> to vector<16xf32>
            %swap3A_271 = vector.shape_cast %select_n3A_265 : vector<16xf32> to vector<1x16xf32>
            tpu.vector_store %arg5[%swap3A_267, %swap3A_268], %swap3A_271 {strides = array<i32>} : memref<8x4096xf32, #tpu.memory_space<vmem>>, vector<1x16xf32>,
            %add3A_272 = arith.constant 5 : i32
            %add3A_273 = arith.addi %mul3A_95, %add3A_272 : i32
            %eq3A_274 = vector.broadcast %add3A_273 : i32 to vector<16xi32>
            %eq3A_275 = arith.cmpi eq, %get3A_213, %eq3A_274 : vector<16xi32>
            %select_n3A_276 = arith.select %eq3A_275, %get3A_216, %broadcast_in_dim3A_33 : vector<16xi1>, vector<16xf32>
            %swap3A_277 = arith.constant 5 : i32
            %swap3A_278 = arith.index_cast %swap3A_277 : i32 to index
            %swap3A_279 = arith.index_cast %add3A_210 : i32 to index
            %swap3A_280 = tpu.vector_load %arg5[%swap3A_278, %swap3A_279] {strides = array<i32>} : memref<8x4096xf32, #tpu.memory_space<vmem>>, vector<1x16xf32>,
            %swap3A_281 = vector.shape_cast %swap3A_280 : vector<1x16xf32> to vector<16xf32>
            %swap3A_282 = vector.shape_cast %select_n3A_276 : vector<16xf32> to vector<1x16xf32>
            tpu.vector_store %arg5[%swap3A_278, %swap3A_279], %swap3A_282 {strides = array<i32>} : memref<8x4096xf32, #tpu.memory_space<vmem>>, vector<1x16xf32>,
            %add3A_283 = arith.constant 6 : i32
            %add3A_284 = arith.addi %mul3A_95, %add3A_283 : i32
            %eq3A_285 = vector.broadcast %add3A_284 : i32 to vector<16xi32>
            %eq3A_286 = arith.cmpi eq, %get3A_213, %eq3A_285 : vector<16xi32>
            %select_n3A_287 = arith.select %eq3A_286, %get3A_216, %broadcast_in_dim3A_33 : vector<16xi1>, vector<16xf32>
            %swap3A_288 = arith.constant 6 : i32
            %swap3A_289 = arith.index_cast %swap3A_288 : i32 to index
            %swap3A_290 = arith.index_cast %add3A_210 : i32 to index
            %swap3A_291 = tpu.vector_load %arg5[%swap3A_289, %swap3A_290] {strides = array<i32>} : memref<8x4096xf32, #tpu.memory_space<vmem>>, vector<1x16xf32>,
            %swap3A_292 = vector.shape_cast %swap3A_291 : vector<1x16xf32> to vector<16xf32>
            %swap3A_293 = vector.shape_cast %select_n3A_287 : vector<16xf32> to vector<1x16xf32>
            tpu.vector_store %arg5[%swap3A_289, %swap3A_290], %swap3A_293 {strides = array<i32>} : memref<8x4096xf32, #tpu.memory_space<vmem>>, vector<1x16xf32>,
            %add3A_294 = arith.constant 7 : i32
            %add3A_295 = arith.addi %mul3A_95, %add3A_294 : i32
            %eq3A_296 = vector.broadcast %add3A_295 : i32 to vector<16xi32>
            %eq3A_297 = arith.cmpi eq, %get3A_213, %eq3A_296 : vector<16xi32>
            %select_n3A_298 = arith.select %eq3A_297, %get3A_216, %broadcast_in_dim3A_33 : vector<16xi1>, vector<16xf32>
            %swap3A_299 = arith.constant 7 : i32
            %swap3A_300 = arith.index_cast %swap3A_299 : i32 to index
            %swap3A_301 = arith.index_cast %add3A_210 : i32 to index
            %swap3A_302 = tpu.vector_load %arg5[%swap3A_300, %swap3A_301] {strides = array<i32>} : memref<8x4096xf32, #tpu.memory_space<vmem>>, vector<1x16xf32>,
            %swap3A_303 = vector.shape_cast %swap3A_302 : vector<1x16xf32> to vector<16xf32>
            %swap3A_304 = vector.shape_cast %select_n3A_298 : vector<16xf32> to vector<1x16xf32>
            tpu.vector_store %arg5[%swap3A_300, %swap3A_301], %swap3A_304 {strides = array<i32>} : memref<8x4096xf32, #tpu.memory_space<vmem>>, vector<1x16xf32>,
            %add3A_305 = arith.constant 32 : i32
            %add3A_306 = arith.addi %mul3A_114, %add3A_305 : i32
            %get3A_307 = arith.index_cast %add3A_306 : i32 to index
            %get3A_308 = tpu.vector_load %arg7[%get3A_307] {strides = array<i32>} : memref<4096xi32, #tpu.memory_space<vmem>>, vector<16xi32>,
            %get3A_309 = vector.shape_cast %get3A_308 : vector<16xi32> to vector<16xi32>
            %get3A_310 = arith.index_cast %add3A_306 : i32 to index
            %get3A_311 = tpu.vector_load %arg8[%get3A_310] {strides = array<i32>} : memref<4096xf32, #tpu.memory_space<vmem>>, vector<16xf32>,
            %get3A_312 = vector.shape_cast %get3A_311 : vector<16xf32> to vector<16xf32>
            %add3A_313 = arith.constant 0 : i32
            %add3A_314 = arith.addi %mul3A_95, %add3A_313 : i32
            %eq3A_315 = vector.broadcast %add3A_314 : i32 to vector<16xi32>
            %eq3A_316 = arith.cmpi eq, %get3A_309, %eq3A_315 : vector<16xi32>
            %select_n3A_317 = arith.select %eq3A_316, %get3A_312, %broadcast_in_dim3A_33 : vector<16xi1>, vector<16xf32>
            %swap3A_318 = arith.constant 0 : i32
            %swap3A_319 = arith.index_cast %swap3A_318 : i32 to index
            %swap3A_320 = arith.index_cast %add3A_306 : i32 to index
            %swap3A_321 = tpu.vector_load %arg5[%swap3A_319, %swap3A_320] {strides = array<i32>} : memref<8x4096xf32, #tpu.memory_space<vmem>>, vector<1x16xf32>,
            %swap3A_322 = vector.shape_cast %swap3A_321 : vector<1x16xf32> to vector<16xf32>
            %swap3A_323 = vector.shape_cast %select_n3A_317 : vector<16xf32> to vector<1x16xf32>
            tpu.vector_store %arg5[%swap3A_319, %swap3A_320], %swap3A_323 {strides = array<i32>} : memref<8x4096xf32, #tpu.memory_space<vmem>>, vector<1x16xf32>,
            %add3A_324 = arith.constant 1 : i32
            %add3A_325 = arith.addi %mul3A_95, %add3A_324 : i32
            %eq3A_326 = vector.broadcast %add3A_325 : i32 to vector<16xi32>
            %eq3A_327 = arith.cmpi eq, %get3A_309, %eq3A_326 : vector<16xi32>
            %select_n3A_328 = arith.select %eq3A_327, %get3A_312, %broadcast_in_dim3A_33 : vector<16xi1>, vector<16xf32>
            %swap3A_329 = arith.constant 1 : i32
            %swap3A_330 = arith.index_cast %swap3A_329 : i32 to index
            %swap3A_331 = arith.index_cast %add3A_306 : i32 to index
            %swap3A_332 = tpu.vector_load %arg5[%swap3A_330, %swap3A_331] {strides = array<i32>} : memref<8x4096xf32, #tpu.memory_space<vmem>>, vector<1x16xf32>,
            %swap3A_333 = vector.shape_cast %swap3A_332 : vector<1x16xf32> to vector<16xf32>
            %swap3A_334 = vector.shape_cast %select_n3A_328 : vector<16xf32> to vector<1x16xf32>
            tpu.vector_store %arg5[%swap3A_330, %swap3A_331], %swap3A_334 {strides = array<i32>} : memref<8x4096xf32, #tpu.memory_space<vmem>>, vector<1x16xf32>,
            %add3A_335 = arith.constant 2 : i32
            %add3A_336 = arith.addi %mul3A_95, %add3A_335 : i32
            %eq3A_337 = vector.broadcast %add3A_336 : i32 to vector<16xi32>
            %eq3A_338 = arith.cmpi eq, %get3A_309, %eq3A_337 : vector<16xi32>
            %select_n3A_339 = arith.select %eq3A_338, %get3A_312, %broadcast_in_dim3A_33 : vector<16xi1>, vector<16xf32>
            %swap3A_340 = arith.constant 2 : i32
            %swap3A_341 = arith.index_cast %swap3A_340 : i32 to index
            %swap3A_342 = arith.index_cast %add3A_306 : i32 to index
            %swap3A_343 = tpu.vector_load %arg5[%swap3A_341, %swap3A_342] {strides = array<i32>} : memref<8x4096xf32, #tpu.memory_space<vmem>>, vector<1x16xf32>,
            %swap3A_344 = vector.shape_cast %swap3A_343 : vector<1x16xf32> to vector<16xf32>
            %swap3A_345 = vector.shape_cast %select_n3A_339 : vector<16xf32> to vector<1x16xf32>
            tpu.vector_store %arg5[%swap3A_341, %swap3A_342], %swap3A_345 {strides = array<i32>} : memref<8x4096xf32, #tpu.memory_space<vmem>>, vector<1x16xf32>,
            %add3A_346 = arith.constant 3 : i32
            %add3A_347 = arith.addi %mul3A_95, %add3A_346 : i32
            %eq3A_348 = vector.broadcast %add3A_347 : i32 to vector<16xi32>
            %eq3A_349 = arith.cmpi eq, %get3A_309, %eq3A_348 : vector<16xi32>
            %select_n3A_350 = arith.select %eq3A_349, %get3A_312, %broadcast_in_dim3A_33 : vector<16xi1>, vector<16xf32>
            %swap3A_351 = arith.constant 3 : i32
            %swap3A_352 = arith.index_cast %swap3A_351 : i32 to index
            %swap3A_353 = arith.index_cast %add3A_306 : i32 to index
            %swap3A_354 = tpu.vector_load %arg5[%swap3A_352, %swap3A_353] {strides = array<i32>} : memref<8x4096xf32, #tpu.memory_space<vmem>>, vector<1x16xf32>,
            %swap3A_355 = vector.shape_cast %swap3A_354 : vector<1x16xf32> to vector<16xf32>
            %swap3A_356 = vector.shape_cast %select_n3A_350 : vector<16xf32> to vector<1x16xf32>
            tpu.vector_store %arg5[%swap3A_352, %swap3A_353], %swap3A_356 {strides = array<i32>} : memref<8x4096xf32, #tpu.memory_space<vmem>>, vector<1x16xf32>,
            %add3A_357 = arith.constant 4 : i32
            %add3A_358 = arith.addi %mul3A_95, %add3A_357 : i32
            %eq3A_359 = vector.broadcast %add3A_358 : i32 to vector<16xi32>
            %eq3A_360 = arith.cmpi eq, %get3A_309, %eq3A_359 : vector<16xi32>
            %select_n3A_361 = arith.select %eq3A_360, %get3A_312, %broadcast_in_dim3A_33 : vector<16xi1>, vector<16xf32>
            %swap3A_362 = arith.constant 4 : i32
            %swap3A_363 = arith.index_cast %swap3A_362 : i32 to index
            %swap3A_364 = arith.index_cast %add3A_306 : i32 to index
            %swap3A_365 = tpu.vector_load %arg5[%swap3A_363, %swap3A_364] {strides = array<i32>} : memref<8x4096xf32, #tpu.memory_space<vmem>>, vector<1x16xf32>,
            %swap3A_366 = vector.shape_cast %swap3A_365 : vector<1x16xf32> to vector<16xf32>
            %swap3A_367 = vector.shape_cast %select_n3A_361 : vector<16xf32> to vector<1x16xf32>
            tpu.vector_store %arg5[%swap3A_363, %swap3A_364], %swap3A_367 {strides = array<i32>} : memref<8x4096xf32, #tpu.memory_space<vmem>>, vector<1x16xf32>,
            %add3A_368 = arith.constant 5 : i32
            %add3A_369 = arith.addi %mul3A_95, %add3A_368 : i32
            %eq3A_370 = vector.broadcast %add3A_369 : i32 to vector<16xi32>
            %eq3A_371 = arith.cmpi eq, %get3A_309, %eq3A_370 : vector<16xi32>
            %select_n3A_372 = arith.select %eq3A_371, %get3A_312, %broadcast_in_dim3A_33 : vector<16xi1>, vector<16xf32>
            %swap3A_373 = arith.constant 5 : i32
            %swap3A_374 = arith.index_cast %swap3A_373 : i32 to index
            %swap3A_375 = arith.index_cast %add3A_306 : i32 to index
            %swap3A_376 = tpu.vector_load %arg5[%swap3A_374, %swap3A_375] {strides = array<i32>} : memref<8x4096xf32, #tpu.memory_space<vmem>>, vector<1x16xf32>,
            %swap3A_377 = vector.shape_cast %swap3A_376 : vector<1x16xf32> to vector<16xf32>
            %swap3A_378 = vector.shape_cast %select_n3A_372 : vector<16xf32> to vector<1x16xf32>
            tpu.vector_store %arg5[%swap3A_374, %swap3A_375], %swap3A_378 {strides = array<i32>} : memref<8x4096xf32, #tpu.memory_space<vmem>>, vector<1x16xf32>,
            %add3A_379 = arith.constant 6 : i32
            %add3A_380 = arith.addi %mul3A_95, %add3A_379 : i32
            %eq3A_381 = vector.broadcast %add3A_380 : i32 to vector<16xi32>
            %eq3A_382 = arith.cmpi eq, %get3A_309, %eq3A_381 : vector<16xi32>
            %select_n3A_383 = arith.select %eq3A_382, %get3A_312, %broadcast_in_dim3A_33 : vector<16xi1>, vector<16xf32>
            %swap3A_384 = arith.constant 6 : i32
            %swap3A_385 = arith.index_cast %swap3A_384 : i32 to index
            %swap3A_386 = arith.index_cast %add3A_306 : i32 to index
            %swap3A_387 = tpu.vector_load %arg5[%swap3A_385, %swap3A_386] {strides = array<i32>} : memref<8x4096xf32, #tpu.memory_space<vmem>>, vector<1x16xf32>,
            %swap3A_388 = vector.shape_cast %swap3A_387 : vector<1x16xf32> to vector<16xf32>
            %swap3A_389 = vector.shape_cast %select_n3A_383 : vector<16xf32> to vector<1x16xf32>
            tpu.vector_store %arg5[%swap3A_385, %swap3A_386], %swap3A_389 {strides = array<i32>} : memref<8x4096xf32, #tpu.memory_space<vmem>>, vector<1x16xf32>,
            %add3A_390 = arith.constant 7 : i32
            %add3A_391 = arith.addi %mul3A_95, %add3A_390 : i32
            %eq3A_392 = vector.broadcast %add3A_391 : i32 to vector<16xi32>
            %eq3A_393 = arith.cmpi eq, %get3A_309, %eq3A_392 : vector<16xi32>
            %select_n3A_394 = arith.select %eq3A_393, %get3A_312, %broadcast_in_dim3A_33 : vector<16xi1>, vector<16xf32>
            %swap3A_395 = arith.constant 7 : i32
            %swap3A_396 = arith.index_cast %swap3A_395 : i32 to index
            %swap3A_397 = arith.index_cast %add3A_306 : i32 to index
            %swap3A_398 = tpu.vector_load %arg5[%swap3A_396, %swap3A_397] {strides = array<i32>} : memref<8x4096xf32, #tpu.memory_space<vmem>>, vector<1x16xf32>,
            %swap3A_399 = vector.shape_cast %swap3A_398 : vector<1x16xf32> to vector<16xf32>
            %swap3A_400 = vector.shape_cast %select_n3A_394 : vector<16xf32> to vector<1x16xf32>
            tpu.vector_store %arg5[%swap3A_396, %swap3A_397], %swap3A_400 {strides = array<i32>} : memref<8x4096xf32, #tpu.memory_space<vmem>>, vector<1x16xf32>,
            %add3A_401 = arith.constant 48 : i32
            %add3A_402 = arith.addi %mul3A_114, %add3A_401 : i32
            %get3A_403 = arith.index_cast %add3A_402 : i32 to index
            %get3A_404 = tpu.vector_load %arg7[%get3A_403] {strides = array<i32>} : memref<4096xi32, #tpu.memory_space<vmem>>, vector<16xi32>,
            %get3A_405 = vector.shape_cast %get3A_404 : vector<16xi32> to vector<16xi32>
            %get3A_406 = arith.index_cast %add3A_402 : i32 to index
            %get3A_407 = tpu.vector_load %arg8[%get3A_406] {strides = array<i32>} : memref<4096xf32, #tpu.memory_space<vmem>>, vector<16xf32>,
            %get3A_408 = vector.shape_cast %get3A_407 : vector<16xf32> to vector<16xf32>
            %add3A_409 = arith.constant 0 : i32
            %add3A_410 = arith.addi %mul3A_95, %add3A_409 : i32
            %eq3A_411 = vector.broadcast %add3A_410 : i32 to vector<16xi32>
            %eq3A_412 = arith.cmpi eq, %get3A_405, %eq3A_411 : vector<16xi32>
            %select_n3A_413 = arith.select %eq3A_412, %get3A_408, %broadcast_in_dim3A_33 : vector<16xi1>, vector<16xf32>
            %swap3A_414 = arith.constant 0 : i32
            %swap3A_415 = arith.index_cast %swap3A_414 : i32 to index
            %swap3A_416 = arith.index_cast %add3A_402 : i32 to index
            %swap3A_417 = tpu.vector_load %arg5[%swap3A_415, %swap3A_416] {strides = array<i32>} : memref<8x4096xf32, #tpu.memory_space<vmem>>, vector<1x16xf32>,
            %swap3A_418 = vector.shape_cast %swap3A_417 : vector<1x16xf32> to vector<16xf32>
            %swap3A_419 = vector.shape_cast %select_n3A_413 : vector<16xf32> to vector<1x16xf32>
            tpu.vector_store %arg5[%swap3A_415, %swap3A_416], %swap3A_419 {strides = array<i32>} : memref<8x4096xf32, #tpu.memory_space<vmem>>, vector<1x16xf32>,
            %add3A_420 = arith.constant 1 : i32
            %add3A_421 = arith.addi %mul3A_95, %add3A_420 : i32
            %eq3A_422 = vector.broadcast %add3A_421 : i32 to vector<16xi32>
            %eq3A_423 = arith.cmpi eq, %get3A_405, %eq3A_422 : vector<16xi32>
            %select_n3A_424 = arith.select %eq3A_423, %get3A_408, %broadcast_in_dim3A_33 : vector<16xi1>, vector<16xf32>
            %swap3A_425 = arith.constant 1 : i32
            %swap3A_426 = arith.index_cast %swap3A_425 : i32 to index
            %swap3A_427 = arith.index_cast %add3A_402 : i32 to index
            %swap3A_428 = tpu.vector_load %arg5[%swap3A_426, %swap3A_427] {strides = array<i32>} : memref<8x4096xf32, #tpu.memory_space<vmem>>, vector<1x16xf32>,
            %swap3A_429 = vector.shape_cast %swap3A_428 : vector<1x16xf32> to vector<16xf32>
            %swap3A_430 = vector.shape_cast %select_n3A_424 : vector<16xf32> to vector<1x16xf32>
            tpu.vector_store %arg5[%swap3A_426, %swap3A_427], %swap3A_430 {strides = array<i32>} : memref<8x4096xf32, #tpu.memory_space<vmem>>, vector<1x16xf32>,
            %add3A_431 = arith.constant 2 : i32
            %add3A_432 = arith.addi %mul3A_95, %add3A_431 : i32
            %eq3A_433 = vector.broadcast %add3A_432 : i32 to vector<16xi32>
            %eq3A_434 = arith.cmpi eq, %get3A_405, %eq3A_433 : vector<16xi32>
            %select_n3A_435 = arith.select %eq3A_434, %get3A_408, %broadcast_in_dim3A_33 : vector<16xi1>, vector<16xf32>
            %swap3A_436 = arith.constant 2 : i32
            %swap3A_437 = arith.index_cast %swap3A_436 : i32 to index
            %swap3A_438 = arith.index_cast %add3A_402 : i32 to index
            %swap3A_439 = tpu.vector_load %arg5[%swap3A_437, %swap3A_438] {strides = array<i32>} : memref<8x4096xf32, #tpu.memory_space<vmem>>, vector<1x16xf32>,
            %swap3A_440 = vector.shape_cast %swap3A_439 : vector<1x16xf32> to vector<16xf32>
            %swap3A_441 = vector.shape_cast %select_n3A_435 : vector<16xf32> to vector<1x16xf32>
            tpu.vector_store %arg5[%swap3A_437, %swap3A_438], %swap3A_441 {strides = array<i32>} : memref<8x4096xf32, #tpu.memory_space<vmem>>, vector<1x16xf32>,
            %add3A_442 = arith.constant 3 : i32
            %add3A_443 = arith.addi %mul3A_95, %add3A_442 : i32
            %eq3A_444 = vector.broadcast %add3A_443 : i32 to vector<16xi32>
            %eq3A_445 = arith.cmpi eq, %get3A_405, %eq3A_444 : vector<16xi32>
            %select_n3A_446 = arith.select %eq3A_445, %get3A_408, %broadcast_in_dim3A_33 : vector<16xi1>, vector<16xf32>
            %swap3A_447 = arith.constant 3 : i32
            %swap3A_448 = arith.index_cast %swap3A_447 : i32 to index
            %swap3A_449 = arith.index_cast %add3A_402 : i32 to index
            %swap3A_450 = tpu.vector_load %arg5[%swap3A_448, %swap3A_449] {strides = array<i32>} : memref<8x4096xf32, #tpu.memory_space<vmem>>, vector<1x16xf32>,
            %swap3A_451 = vector.shape_cast %swap3A_450 : vector<1x16xf32> to vector<16xf32>
            %swap3A_452 = vector.shape_cast %select_n3A_446 : vector<16xf32> to vector<1x16xf32>
            tpu.vector_store %arg5[%swap3A_448, %swap3A_449], %swap3A_452 {strides = array<i32>} : memref<8x4096xf32, #tpu.memory_space<vmem>>, vector<1x16xf32>,
            %add3A_453 = arith.constant 4 : i32
            %add3A_454 = arith.addi %mul3A_95, %add3A_453 : i32
            %eq3A_455 = vector.broadcast %add3A_454 : i32 to vector<16xi32>
            %eq3A_456 = arith.cmpi eq, %get3A_405, %eq3A_455 : vector<16xi32>
            %select_n3A_457 = arith.select %eq3A_456, %get3A_408, %broadcast_in_dim3A_33 : vector<16xi1>, vector<16xf32>
            %swap3A_458 = arith.constant 4 : i32
            %swap3A_459 = arith.index_cast %swap3A_458 : i32 to index
            %swap3A_460 = arith.index_cast %add3A_402 : i32 to index
            %swap3A_461 = tpu.vector_load %arg5[%swap3A_459, %swap3A_460] {strides = array<i32>} : memref<8x4096xf32, #tpu.memory_space<vmem>>, vector<1x16xf32>,
            %swap3A_462 = vector.shape_cast %swap3A_461 : vector<1x16xf32> to vector<16xf32>
            %swap3A_463 = vector.shape_cast %select_n3A_457 : vector<16xf32> to vector<1x16xf32>
            tpu.vector_store %arg5[%swap3A_459, %swap3A_460], %swap3A_463 {strides = array<i32>} : memref<8x4096xf32, #tpu.memory_space<vmem>>, vector<1x16xf32>,
            %add3A_464 = arith.constant 5 : i32
            %add3A_465 = arith.addi %mul3A_95, %add3A_464 : i32
            %eq3A_466 = vector.broadcast %add3A_465 : i32 to vector<16xi32>
            %eq3A_467 = arith.cmpi eq, %get3A_405, %eq3A_466 : vector<16xi32>
            %select_n3A_468 = arith.select %eq3A_467, %get3A_408, %broadcast_in_dim3A_33 : vector<16xi1>, vector<16xf32>
            %swap3A_469 = arith.constant 5 : i32
            %swap3A_470 = arith.index_cast %swap3A_469 : i32 to index
            %swap3A_471 = arith.index_cast %add3A_402 : i32 to index
            %swap3A_472 = tpu.vector_load %arg5[%swap3A_470, %swap3A_471] {strides = array<i32>} : memref<8x4096xf32, #tpu.memory_space<vmem>>, vector<1x16xf32>,
            %swap3A_473 = vector.shape_cast %swap3A_472 : vector<1x16xf32> to vector<16xf32>
            %swap3A_474 = vector.shape_cast %select_n3A_468 : vector<16xf32> to vector<1x16xf32>
            tpu.vector_store %arg5[%swap3A_470, %swap3A_471], %swap3A_474 {strides = array<i32>} : memref<8x4096xf32, #tpu.memory_space<vmem>>, vector<1x16xf32>,
            %add3A_475 = arith.constant 6 : i32
            %add3A_476 = arith.addi %mul3A_95, %add3A_475 : i32
            %eq3A_477 = vector.broadcast %add3A_476 : i32 to vector<16xi32>
            %eq3A_478 = arith.cmpi eq, %get3A_405, %eq3A_477 : vector<16xi32>
            %select_n3A_479 = arith.select %eq3A_478, %get3A_408, %broadcast_in_dim3A_33 : vector<16xi1>, vector<16xf32>
            %swap3A_480 = arith.constant 6 : i32
            %swap3A_481 = arith.index_cast %swap3A_480 : i32 to index
            %swap3A_482 = arith.index_cast %add3A_402 : i32 to index
            %swap3A_483 = tpu.vector_load %arg5[%swap3A_481, %swap3A_482] {strides = array<i32>} : memref<8x4096xf32, #tpu.memory_space<vmem>>, vector<1x16xf32>,
            %swap3A_484 = vector.shape_cast %swap3A_483 : vector<1x16xf32> to vector<16xf32>
            %swap3A_485 = vector.shape_cast %select_n3A_479 : vector<16xf32> to vector<1x16xf32>
            tpu.vector_store %arg5[%swap3A_481, %swap3A_482], %swap3A_485 {strides = array<i32>} : memref<8x4096xf32, #tpu.memory_space<vmem>>, vector<1x16xf32>,
            %add3A_486 = arith.constant 7 : i32
            %add3A_487 = arith.addi %mul3A_95, %add3A_486 : i32
            %eq3A_488 = vector.broadcast %add3A_487 : i32 to vector<16xi32>
            %eq3A_489 = arith.cmpi eq, %get3A_405, %eq3A_488 : vector<16xi32>
            %select_n3A_490 = arith.select %eq3A_489, %get3A_408, %broadcast_in_dim3A_33 : vector<16xi1>, vector<16xf32>
            %swap3A_491 = arith.constant 7 : i32
            %swap3A_492 = arith.index_cast %swap3A_491 : i32 to index
            %swap3A_493 = arith.index_cast %add3A_402 : i32 to index
            %swap3A_494 = tpu.vector_load %arg5[%swap3A_492, %swap3A_493] {strides = array<i32>} : memref<8x4096xf32, #tpu.memory_space<vmem>>, vector<1x16xf32>,
            %swap3A_495 = vector.shape_cast %swap3A_494 : vector<1x16xf32> to vector<16xf32>
            %swap3A_496 = vector.shape_cast %select_n3A_490 : vector<16xf32> to vector<1x16xf32>
            tpu.vector_store %arg5[%swap3A_492, %swap3A_493], %swap3A_496 {strides = array<i32>} : memref<8x4096xf32, #tpu.memory_space<vmem>>, vector<1x16xf32>,
          }
          %scan3A_110 = arith.constant 64 : i32
          %dma_start3A = tpu.memref_slice %arg4[%mul3A_95, %mul3A_32] : memref<1000x16384xf32, #tpu.memory_space<hbm>> -> memref<8x4096xf32, #tpu.memory_space<hbm>>
          %dma_start3A_111 = tpu.memref_slice %arg4[%mul3A_95, %mul3A_32] : memref<1000x16384xf32, #tpu.memory_space<hbm>> -> memref<8x4096xf32, #tpu.memory_space<hbm>>
          tpu.enqueue_dma source(%arg5 : memref<8x4096xf32, #tpu.memory_space<vmem>>) target(%dma_start3A_111 : memref<8x4096xf32, #tpu.memory_space<hbm>>) target_semaphore(%arg9 : memref<!tpu.dma_semaphore, #tpu.memory_space<semaphore_mem>>)
        } else {
        }
      } else {
      }
      %jit3A_70 = arith.constant 2 : i32
      %eq3A_71 = arith.constant 0 : i32
      %eq3A_72 = arith.cmpi eq, %jit3A_70, %eq3A_71 : i32
      %jit3A_73 = arith.constant 1 : i32
      %select_n3A_74 = arith.select %eq3A_72, %jit3A_73, %jit3A_70 : i32
      %rem3A_75 = arith.remsi %scan3A_50, %select_n3A_74 : i32
      %ne3A_76 = arith.constant 0 : i32
      %ne3A_77 = arith.cmpi ne, %rem3A_75, %ne3A_76 : i32
      %lt3A_78 = arith.constant 0 : i32
      %lt3A_79 = arith.cmpi slt, %rem3A_75, %lt3A_78 : i32
      %lt3A_80 = arith.constant 0 : i32
      %lt3A_81 = arith.cmpi slt, %select_n3A_74, %lt3A_80 : i32
      %ne3A_82 = arith.xori %lt3A_79, %lt3A_81 : i1
      %and3A_83 = arith.andi %ne3A_82, %ne3A_77 : i1
      %add3A_84 = arith.addi %rem3A_75, %select_n3A_74 : i32
      %select_n3A_85 = arith.select %and3A_83, %add3A_84, %rem3A_75 : i32
      %eq3A_86 = arith.constant 1 : i32
      %eq3A_87 = arith.cmpi eq, %select_n3A_85, %eq3A_86 : i32
      %convert_element_type3A_88 = arith.extui %eq3A_87 : i1 to i32
      %cond3A_89 = arith.constant 0 : i32
      %cond3A_90 = arith.cmpi ne, %convert_element_type3A_88, %cond3A_89 : i32
      scf.if %cond3A_90 {
        %mul3A_91 = arith.constant 8 : i32
        %mul3A_92 = arith.muli %mul3A_91, %scan3A_50 : i32
        %add3A_93 = arith.addi %select_n3A_30, %mul3A_92 : i32
        %mul3A_94 = arith.constant 8 : i32
        %mul3A_95 = arith.muli %add3A_93, %mul3A_94 : i32
        %lt3A_96 = arith.constant 125 : i32
        %lt3A_97 = arith.cmpi slt, %add3A_93, %lt3A_96 : i32
        %convert_element_type3A_98 = arith.extui %lt3A_97 : i1 to i32
        %cond3A_99 = arith.constant 0 : i32
        %cond3A_100 = arith.cmpi ne, %convert_element_type3A_98, %cond3A_99 : i32
        scf.if %cond3A_100 {
          %ge3A = arith.constant 2 : i32
          %ge3A_101 = arith.cmpi sge, %scan3A_50, %ge3A : i32
          %convert_element_type3A_102 = arith.extui %ge3A_101 : i1 to i32
          %cond3A_103 = arith.constant 0 : i32
          %cond3A_104 = arith.cmpi ne, %convert_element_type3A_102, %cond3A_103 : i32
          scf.if %cond3A_104 {
            %sub3A_112 = arith.constant 2 : i32
            %sub3A_113 = arith.subi %scan3A_50, %sub3A_112 : i32
            %mul3A_114 = arith.constant 8 : i32
            %mul3A_115 = arith.muli %mul3A_114, %sub3A_113 : i32
            %add3A_116 = arith.addi %select_n3A_30, %mul3A_115 : i32
            %mul3A_117 = arith.constant 8 : i32
            %mul3A_118 = arith.muli %add3A_116, %mul3A_117 : i32
            %dma_wait3A_119 = tpu.memref_slice %arg4[%mul3A_118, %mul3A_32] : memref<1000x16384xf32, #tpu.memory_space<hbm>> -> memref<8x4096xf32, #tpu.memory_space<hbm>>
            %dma_wait3A_120 = tpu.memref_slice %arg4[%mul3A_118, %mul3A_32] : memref<1000x16384xf32, #tpu.memory_space<hbm>> -> memref<8x4096xf32, #tpu.memory_space<hbm>>
            tpu.wait_dma2 semaphore(%arg10 : memref<!tpu.dma_semaphore, #tpu.memory_space<semaphore_mem>>) src(%arg6 : memref<8x4096xf32, #tpu.memory_space<vmem>>) dst(%dma_wait3A_120 : memref<8x4096xf32, #tpu.memory_space<hbm>>)
          } else {
          }
          %scan3A_105 = arith.constant 0 : i32
          %scan3A_106 = arith.constant 0 : i32
          %scan3A_107 = arith.constant 64 : i32
          %scan3A_108 = arith.addi %scan3A_106, %scan3A_107 : i32
          %scan3A_109 = arith.constant 1 : i32
          scf.for %scan3A_112 = %scan3A_106 to %scan3A_108 step %scan3A_109  : i32 {
            %mul3A_113 = arith.constant 64 : i32
            %mul3A_114 = arith.muli %scan3A_112, %mul3A_113 : i32
            %add3A_115 = arith.constant 0 : i32
            %add3A_116 = arith.addi %mul3A_114, %add3A_115 : i32
            %get3A = arith.index_cast %add3A_116 : i32 to index
            %get3A_117 = tpu.vector_load %arg7[%get3A] {strides = array<i32>} : memref<4096xi32, #tpu.memory_space<vmem>>, vector<16xi32>,
            %get3A_118 = vector.shape_cast %get3A_117 : vector<16xi32> to vector<16xi32>
            %get3A_119 = arith.index_cast %add3A_116 : i32 to index
            %get3A_120 = tpu.vector_load %arg8[%get3A_119] {strides = array<i32>} : memref<4096xf32, #tpu.memory_space<vmem>>, vector<16xf32>,
            %get3A_121 = vector.shape_cast %get3A_120 : vector<16xf32> to vector<16xf32>
            %add3A_122 = arith.constant 0 : i32
            %add3A_123 = arith.addi %mul3A_95, %add3A_122 : i32
            %eq3A_124 = vector.broadcast %add3A_123 : i32 to vector<16xi32>
            %eq3A_125 = arith.cmpi eq, %get3A_118, %eq3A_124 : vector<16xi32>
            %select_n3A_126 = arith.select %eq3A_125, %get3A_121, %broadcast_in_dim3A_33 : vector<16xi1>, vector<16xf32>
            %swap3A = arith.constant 0 : i32
            %swap3A_127 = arith.index_cast %swap3A : i32 to index
            %swap3A_128 = arith.index_cast %add3A_116 : i32 to index
            %swap3A_129 = tpu.vector_load %arg6[%swap3A_127, %swap3A_128] {strides = array<i32>} : memref<8x4096xf32, #tpu.memory_space<vmem>>, vector<1x16xf32>,
            %swap3A_130 = vector.shape_cast %swap3A_129 : vector<1x16xf32> to vector<16xf32>
            %swap3A_131 = vector.shape_cast %select_n3A_126 : vector<16xf32> to vector<1x16xf32>
            tpu.vector_store %arg6[%swap3A_127, %swap3A_128], %swap3A_131 {strides = array<i32>} : memref<8x4096xf32, #tpu.memory_space<vmem>>, vector<1x16xf32>,
            %add3A_132 = arith.constant 1 : i32
            %add3A_133 = arith.addi %mul3A_95, %add3A_132 : i32
            %eq3A_134 = vector.broadcast %add3A_133 : i32 to vector<16xi32>
            %eq3A_135 = arith.cmpi eq, %get3A_118, %eq3A_134 : vector<16xi32>
            %select_n3A_136 = arith.select %eq3A_135, %get3A_121, %broadcast_in_dim3A_33 : vector<16xi1>, vector<16xf32>
            %swap3A_137 = arith.constant 1 : i32
            %swap3A_138 = arith.index_cast %swap3A_137 : i32 to index
            %swap3A_139 = arith.index_cast %add3A_116 : i32 to index
            %swap3A_140 = tpu.vector_load %arg6[%swap3A_138, %swap3A_139] {strides = array<i32>} : memref<8x4096xf32, #tpu.memory_space<vmem>>, vector<1x16xf32>,
            %swap3A_141 = vector.shape_cast %swap3A_140 : vector<1x16xf32> to vector<16xf32>
            %swap3A_142 = vector.shape_cast %select_n3A_136 : vector<16xf32> to vector<1x16xf32>
            tpu.vector_store %arg6[%swap3A_138, %swap3A_139], %swap3A_142 {strides = array<i32>} : memref<8x4096xf32, #tpu.memory_space<vmem>>, vector<1x16xf32>,
            %add3A_143 = arith.constant 2 : i32
            %add3A_144 = arith.addi %mul3A_95, %add3A_143 : i32
            %eq3A_145 = vector.broadcast %add3A_144 : i32 to vector<16xi32>
            %eq3A_146 = arith.cmpi eq, %get3A_118, %eq3A_145 : vector<16xi32>
            %select_n3A_147 = arith.select %eq3A_146, %get3A_121, %broadcast_in_dim3A_33 : vector<16xi1>, vector<16xf32>
            %swap3A_148 = arith.constant 2 : i32
            %swap3A_149 = arith.index_cast %swap3A_148 : i32 to index
            %swap3A_150 = arith.index_cast %add3A_116 : i32 to index
            %swap3A_151 = tpu.vector_load %arg6[%swap3A_149, %swap3A_150] {strides = array<i32>} : memref<8x4096xf32, #tpu.memory_space<vmem>>, vector<1x16xf32>,
            %swap3A_152 = vector.shape_cast %swap3A_151 : vector<1x16xf32> to vector<16xf32>
            %swap3A_153 = vector.shape_cast %select_n3A_147 : vector<16xf32> to vector<1x16xf32>
            tpu.vector_store %arg6[%swap3A_149, %swap3A_150], %swap3A_153 {strides = array<i32>} : memref<8x4096xf32, #tpu.memory_space<vmem>>, vector<1x16xf32>,
            %add3A_154 = arith.constant 3 : i32
            %add3A_155 = arith.addi %mul3A_95, %add3A_154 : i32
            %eq3A_156 = vector.broadcast %add3A_155 : i32 to vector<16xi32>
            %eq3A_157 = arith.cmpi eq, %get3A_118, %eq3A_156 : vector<16xi32>
            %select_n3A_158 = arith.select %eq3A_157, %get3A_121, %broadcast_in_dim3A_33 : vector<16xi1>, vector<16xf32>
            %swap3A_159 = arith.constant 3 : i32
            %swap3A_160 = arith.index_cast %swap3A_159 : i32 to index
            %swap3A_161 = arith.index_cast %add3A_116 : i32 to index
            %swap3A_162 = tpu.vector_load %arg6[%swap3A_160, %swap3A_161] {strides = array<i32>} : memref<8x4096xf32, #tpu.memory_space<vmem>>, vector<1x16xf32>,
            %swap3A_163 = vector.shape_cast %swap3A_162 : vector<1x16xf32> to vector<16xf32>
            %swap3A_164 = vector.shape_cast %select_n3A_158 : vector<16xf32> to vector<1x16xf32>
            tpu.vector_store %arg6[%swap3A_160, %swap3A_161], %swap3A_164 {strides = array<i32>} : memref<8x4096xf32, #tpu.memory_space<vmem>>, vector<1x16xf32>,
            %add3A_165 = arith.constant 4 : i32
            %add3A_166 = arith.addi %mul3A_95, %add3A_165 : i32
            %eq3A_167 = vector.broadcast %add3A_166 : i32 to vector<16xi32>
            %eq3A_168 = arith.cmpi eq, %get3A_118, %eq3A_167 : vector<16xi32>
            %select_n3A_169 = arith.select %eq3A_168, %get3A_121, %broadcast_in_dim3A_33 : vector<16xi1>, vector<16xf32>
            %swap3A_170 = arith.constant 4 : i32
            %swap3A_171 = arith.index_cast %swap3A_170 : i32 to index
            %swap3A_172 = arith.index_cast %add3A_116 : i32 to index
            %swap3A_173 = tpu.vector_load %arg6[%swap3A_171, %swap3A_172] {strides = array<i32>} : memref<8x4096xf32, #tpu.memory_space<vmem>>, vector<1x16xf32>,
            %swap3A_174 = vector.shape_cast %swap3A_173 : vector<1x16xf32> to vector<16xf32>
            %swap3A_175 = vector.shape_cast %select_n3A_169 : vector<16xf32> to vector<1x16xf32>
            tpu.vector_store %arg6[%swap3A_171, %swap3A_172], %swap3A_175 {strides = array<i32>} : memref<8x4096xf32, #tpu.memory_space<vmem>>, vector<1x16xf32>,
            %add3A_176 = arith.constant 5 : i32
            %add3A_177 = arith.addi %mul3A_95, %add3A_176 : i32
            %eq3A_178 = vector.broadcast %add3A_177 : i32 to vector<16xi32>
            %eq3A_179 = arith.cmpi eq, %get3A_118, %eq3A_178 : vector<16xi32>
            %select_n3A_180 = arith.select %eq3A_179, %get3A_121, %broadcast_in_dim3A_33 : vector<16xi1>, vector<16xf32>
            %swap3A_181 = arith.constant 5 : i32
            %swap3A_182 = arith.index_cast %swap3A_181 : i32 to index
            %swap3A_183 = arith.index_cast %add3A_116 : i32 to index
            %swap3A_184 = tpu.vector_load %arg6[%swap3A_182, %swap3A_183] {strides = array<i32>} : memref<8x4096xf32, #tpu.memory_space<vmem>>, vector<1x16xf32>,
            %swap3A_185 = vector.shape_cast %swap3A_184 : vector<1x16xf32> to vector<16xf32>
            %swap3A_186 = vector.shape_cast %select_n3A_180 : vector<16xf32> to vector<1x16xf32>
            tpu.vector_store %arg6[%swap3A_182, %swap3A_183], %swap3A_186 {strides = array<i32>} : memref<8x4096xf32, #tpu.memory_space<vmem>>, vector<1x16xf32>,
            %add3A_187 = arith.constant 6 : i32
            %add3A_188 = arith.addi %mul3A_95, %add3A_187 : i32
            %eq3A_189 = vector.broadcast %add3A_188 : i32 to vector<16xi32>
            %eq3A_190 = arith.cmpi eq, %get3A_118, %eq3A_189 : vector<16xi32>
            %select_n3A_191 = arith.select %eq3A_190, %get3A_121, %broadcast_in_dim3A_33 : vector<16xi1>, vector<16xf32>
            %swap3A_192 = arith.constant 6 : i32
            %swap3A_193 = arith.index_cast %swap3A_192 : i32 to index
            %swap3A_194 = arith.index_cast %add3A_116 : i32 to index
            %swap3A_195 = tpu.vector_load %arg6[%swap3A_193, %swap3A_194] {strides = array<i32>} : memref<8x4096xf32, #tpu.memory_space<vmem>>, vector<1x16xf32>,
            %swap3A_196 = vector.shape_cast %swap3A_195 : vector<1x16xf32> to vector<16xf32>
            %swap3A_197 = vector.shape_cast %select_n3A_191 : vector<16xf32> to vector<1x16xf32>
            tpu.vector_store %arg6[%swap3A_193, %swap3A_194], %swap3A_197 {strides = array<i32>} : memref<8x4096xf32, #tpu.memory_space<vmem>>, vector<1x16xf32>,
            %add3A_198 = arith.constant 7 : i32
            %add3A_199 = arith.addi %mul3A_95, %add3A_198 : i32
            %eq3A_200 = vector.broadcast %add3A_199 : i32 to vector<16xi32>
            %eq3A_201 = arith.cmpi eq, %get3A_118, %eq3A_200 : vector<16xi32>
            %select_n3A_202 = arith.select %eq3A_201, %get3A_121, %broadcast_in_dim3A_33 : vector<16xi1>, vector<16xf32>
            %swap3A_203 = arith.constant 7 : i32
            %swap3A_204 = arith.index_cast %swap3A_203 : i32 to index
            %swap3A_205 = arith.index_cast %add3A_116 : i32 to index
            %swap3A_206 = tpu.vector_load %arg6[%swap3A_204, %swap3A_205] {strides = array<i32>} : memref<8x4096xf32, #tpu.memory_space<vmem>>, vector<1x16xf32>,
            %swap3A_207 = vector.shape_cast %swap3A_206 : vector<1x16xf32> to vector<16xf32>
            %swap3A_208 = vector.shape_cast %select_n3A_202 : vector<16xf32> to vector<1x16xf32>
            tpu.vector_store %arg6[%swap3A_204, %swap3A_205], %swap3A_208 {strides = array<i32>} : memref<8x4096xf32, #tpu.memory_space<vmem>>, vector<1x16xf32>,
            %add3A_209 = arith.constant 16 : i32
            %add3A_210 = arith.addi %mul3A_114, %add3A_209 : i32
            %get3A_211 = arith.index_cast %add3A_210 : i32 to index
            %get3A_212 = tpu.vector_load %arg7[%get3A_211] {strides = array<i32>} : memref<4096xi32, #tpu.memory_space<vmem>>, vector<16xi32>,
            %get3A_213 = vector.shape_cast %get3A_212 : vector<16xi32> to vector<16xi32>
            %get3A_214 = arith.index_cast %add3A_210 : i32 to index
            %get3A_215 = tpu.vector_load %arg8[%get3A_214] {strides = array<i32>} : memref<4096xf32, #tpu.memory_space<vmem>>, vector<16xf32>,
            %get3A_216 = vector.shape_cast %get3A_215 : vector<16xf32> to vector<16xf32>
            %add3A_217 = arith.constant 0 : i32
            %add3A_218 = arith.addi %mul3A_95, %add3A_217 : i32
            %eq3A_219 = vector.broadcast %add3A_218 : i32 to vector<16xi32>
            %eq3A_220 = arith.cmpi eq, %get3A_213, %eq3A_219 : vector<16xi32>
            %select_n3A_221 = arith.select %eq3A_220, %get3A_216, %broadcast_in_dim3A_33 : vector<16xi1>, vector<16xf32>
            %swap3A_222 = arith.constant 0 : i32
            %swap3A_223 = arith.index_cast %swap3A_222 : i32 to index
            %swap3A_224 = arith.index_cast %add3A_210 : i32 to index
            %swap3A_225 = tpu.vector_load %arg6[%swap3A_223, %swap3A_224] {strides = array<i32>} : memref<8x4096xf32, #tpu.memory_space<vmem>>, vector<1x16xf32>,
            %swap3A_226 = vector.shape_cast %swap3A_225 : vector<1x16xf32> to vector<16xf32>
            %swap3A_227 = vector.shape_cast %select_n3A_221 : vector<16xf32> to vector<1x16xf32>
            tpu.vector_store %arg6[%swap3A_223, %swap3A_224], %swap3A_227 {strides = array<i32>} : memref<8x4096xf32, #tpu.memory_space<vmem>>, vector<1x16xf32>,
            %add3A_228 = arith.constant 1 : i32
            %add3A_229 = arith.addi %mul3A_95, %add3A_228 : i32
            %eq3A_230 = vector.broadcast %add3A_229 : i32 to vector<16xi32>
            %eq3A_231 = arith.cmpi eq, %get3A_213, %eq3A_230 : vector<16xi32>
            %select_n3A_232 = arith.select %eq3A_231, %get3A_216, %broadcast_in_dim3A_33 : vector<16xi1>, vector<16xf32>
            %swap3A_233 = arith.constant 1 : i32
            %swap3A_234 = arith.index_cast %swap3A_233 : i32 to index
            %swap3A_235 = arith.index_cast %add3A_210 : i32 to index
            %swap3A_236 = tpu.vector_load %arg6[%swap3A_234, %swap3A_235] {strides = array<i32>} : memref<8x4096xf32, #tpu.memory_space<vmem>>, vector<1x16xf32>,
            %swap3A_237 = vector.shape_cast %swap3A_236 : vector<1x16xf32> to vector<16xf32>
            %swap3A_238 = vector.shape_cast %select_n3A_232 : vector<16xf32> to vector<1x16xf32>
            tpu.vector_store %arg6[%swap3A_234, %swap3A_235], %swap3A_238 {strides = array<i32>} : memref<8x4096xf32, #tpu.memory_space<vmem>>, vector<1x16xf32>,
            %add3A_239 = arith.constant 2 : i32
            %add3A_240 = arith.addi %mul3A_95, %add3A_239 : i32
            %eq3A_241 = vector.broadcast %add3A_240 : i32 to vector<16xi32>
            %eq3A_242 = arith.cmpi eq, %get3A_213, %eq3A_241 : vector<16xi32>
            %select_n3A_243 = arith.select %eq3A_242, %get3A_216, %broadcast_in_dim3A_33 : vector<16xi1>, vector<16xf32>
            %swap3A_244 = arith.constant 2 : i32
            %swap3A_245 = arith.index_cast %swap3A_244 : i32 to index
            %swap3A_246 = arith.index_cast %add3A_210 : i32 to index
            %swap3A_247 = tpu.vector_load %arg6[%swap3A_245, %swap3A_246] {strides = array<i32>} : memref<8x4096xf32, #tpu.memory_space<vmem>>, vector<1x16xf32>,
            %swap3A_248 = vector.shape_cast %swap3A_247 : vector<1x16xf32> to vector<16xf32>
            %swap3A_249 = vector.shape_cast %select_n3A_243 : vector<16xf32> to vector<1x16xf32>
            tpu.vector_store %arg6[%swap3A_245, %swap3A_246], %swap3A_249 {strides = array<i32>} : memref<8x4096xf32, #tpu.memory_space<vmem>>, vector<1x16xf32>,
            %add3A_250 = arith.constant 3 : i32
            %add3A_251 = arith.addi %mul3A_95, %add3A_250 : i32
            %eq3A_252 = vector.broadcast %add3A_251 : i32 to vector<16xi32>
            %eq3A_253 = arith.cmpi eq, %get3A_213, %eq3A_252 : vector<16xi32>
            %select_n3A_254 = arith.select %eq3A_253, %get3A_216, %broadcast_in_dim3A_33 : vector<16xi1>, vector<16xf32>
            %swap3A_255 = arith.constant 3 : i32
            %swap3A_256 = arith.index_cast %swap3A_255 : i32 to index
            %swap3A_257 = arith.index_cast %add3A_210 : i32 to index
            %swap3A_258 = tpu.vector_load %arg6[%swap3A_256, %swap3A_257] {strides = array<i32>} : memref<8x4096xf32, #tpu.memory_space<vmem>>, vector<1x16xf32>,
            %swap3A_259 = vector.shape_cast %swap3A_258 : vector<1x16xf32> to vector<16xf32>
            %swap3A_260 = vector.shape_cast %select_n3A_254 : vector<16xf32> to vector<1x16xf32>
            tpu.vector_store %arg6[%swap3A_256, %swap3A_257], %swap3A_260 {strides = array<i32>} : memref<8x4096xf32, #tpu.memory_space<vmem>>, vector<1x16xf32>,
            %add3A_261 = arith.constant 4 : i32
            %add3A_262 = arith.addi %mul3A_95, %add3A_261 : i32
            %eq3A_263 = vector.broadcast %add3A_262 : i32 to vector<16xi32>
            %eq3A_264 = arith.cmpi eq, %get3A_213, %eq3A_263 : vector<16xi32>
            %select_n3A_265 = arith.select %eq3A_264, %get3A_216, %broadcast_in_dim3A_33 : vector<16xi1>, vector<16xf32>
            %swap3A_266 = arith.constant 4 : i32
            %swap3A_267 = arith.index_cast %swap3A_266 : i32 to index
            %swap3A_268 = arith.index_cast %add3A_210 : i32 to index
            %swap3A_269 = tpu.vector_load %arg6[%swap3A_267, %swap3A_268] {strides = array<i32>} : memref<8x4096xf32, #tpu.memory_space<vmem>>, vector<1x16xf32>,
            %swap3A_270 = vector.shape_cast %swap3A_269 : vector<1x16xf32> to vector<16xf32>
            %swap3A_271 = vector.shape_cast %select_n3A_265 : vector<16xf32> to vector<1x16xf32>
            tpu.vector_store %arg6[%swap3A_267, %swap3A_268], %swap3A_271 {strides = array<i32>} : memref<8x4096xf32, #tpu.memory_space<vmem>>, vector<1x16xf32>,
            %add3A_272 = arith.constant 5 : i32
            %add3A_273 = arith.addi %mul3A_95, %add3A_272 : i32
            %eq3A_274 = vector.broadcast %add3A_273 : i32 to vector<16xi32>
            %eq3A_275 = arith.cmpi eq, %get3A_213, %eq3A_274 : vector<16xi32>
            %select_n3A_276 = arith.select %eq3A_275, %get3A_216, %broadcast_in_dim3A_33 : vector<16xi1>, vector<16xf32>
            %swap3A_277 = arith.constant 5 : i32
            %swap3A_278 = arith.index_cast %swap3A_277 : i32 to index
            %swap3A_279 = arith.index_cast %add3A_210 : i32 to index
            %swap3A_280 = tpu.vector_load %arg6[%swap3A_278, %swap3A_279] {strides = array<i32>} : memref<8x4096xf32, #tpu.memory_space<vmem>>, vector<1x16xf32>,
            %swap3A_281 = vector.shape_cast %swap3A_280 : vector<1x16xf32> to vector<16xf32>
            %swap3A_282 = vector.shape_cast %select_n3A_276 : vector<16xf32> to vector<1x16xf32>
            tpu.vector_store %arg6[%swap3A_278, %swap3A_279], %swap3A_282 {strides = array<i32>} : memref<8x4096xf32, #tpu.memory_space<vmem>>, vector<1x16xf32>,
            %add3A_283 = arith.constant 6 : i32
            %add3A_284 = arith.addi %mul3A_95, %add3A_283 : i32
            %eq3A_285 = vector.broadcast %add3A_284 : i32 to vector<16xi32>
            %eq3A_286 = arith.cmpi eq, %get3A_213, %eq3A_285 : vector<16xi32>
            %select_n3A_287 = arith.select %eq3A_286, %get3A_216, %broadcast_in_dim3A_33 : vector<16xi1>, vector<16xf32>
            %swap3A_288 = arith.constant 6 : i32
            %swap3A_289 = arith.index_cast %swap3A_288 : i32 to index
            %swap3A_290 = arith.index_cast %add3A_210 : i32 to index
            %swap3A_291 = tpu.vector_load %arg6[%swap3A_289, %swap3A_290] {strides = array<i32>} : memref<8x4096xf32, #tpu.memory_space<vmem>>, vector<1x16xf32>,
            %swap3A_292 = vector.shape_cast %swap3A_291 : vector<1x16xf32> to vector<16xf32>
            %swap3A_293 = vector.shape_cast %select_n3A_287 : vector<16xf32> to vector<1x16xf32>
            tpu.vector_store %arg6[%swap3A_289, %swap3A_290], %swap3A_293 {strides = array<i32>} : memref<8x4096xf32, #tpu.memory_space<vmem>>, vector<1x16xf32>,
            %add3A_294 = arith.constant 7 : i32
            %add3A_295 = arith.addi %mul3A_95, %add3A_294 : i32
            %eq3A_296 = vector.broadcast %add3A_295 : i32 to vector<16xi32>
            %eq3A_297 = arith.cmpi eq, %get3A_213, %eq3A_296 : vector<16xi32>
            %select_n3A_298 = arith.select %eq3A_297, %get3A_216, %broadcast_in_dim3A_33 : vector<16xi1>, vector<16xf32>
            %swap3A_299 = arith.constant 7 : i32
            %swap3A_300 = arith.index_cast %swap3A_299 : i32 to index
            %swap3A_301 = arith.index_cast %add3A_210 : i32 to index
            %swap3A_302 = tpu.vector_load %arg6[%swap3A_300, %swap3A_301] {strides = array<i32>} : memref<8x4096xf32, #tpu.memory_space<vmem>>, vector<1x16xf32>,
            %swap3A_303 = vector.shape_cast %swap3A_302 : vector<1x16xf32> to vector<16xf32>
            %swap3A_304 = vector.shape_cast %select_n3A_298 : vector<16xf32> to vector<1x16xf32>
            tpu.vector_store %arg6[%swap3A_300, %swap3A_301], %swap3A_304 {strides = array<i32>} : memref<8x4096xf32, #tpu.memory_space<vmem>>, vector<1x16xf32>,
            %add3A_305 = arith.constant 32 : i32
            %add3A_306 = arith.addi %mul3A_114, %add3A_305 : i32
            %get3A_307 = arith.index_cast %add3A_306 : i32 to index
            %get3A_308 = tpu.vector_load %arg7[%get3A_307] {strides = array<i32>} : memref<4096xi32, #tpu.memory_space<vmem>>, vector<16xi32>,
            %get3A_309 = vector.shape_cast %get3A_308 : vector<16xi32> to vector<16xi32>
            %get3A_310 = arith.index_cast %add3A_306 : i32 to index
            %get3A_311 = tpu.vector_load %arg8[%get3A_310] {strides = array<i32>} : memref<4096xf32, #tpu.memory_space<vmem>>, vector<16xf32>,
            %get3A_312 = vector.shape_cast %get3A_311 : vector<16xf32> to vector<16xf32>
            %add3A_313 = arith.constant 0 : i32
            %add3A_314 = arith.addi %mul3A_95, %add3A_313 : i32
            %eq3A_315 = vector.broadcast %add3A_314 : i32 to vector<16xi32>
            %eq3A_316 = arith.cmpi eq, %get3A_309, %eq3A_315 : vector<16xi32>
            %select_n3A_317 = arith.select %eq3A_316, %get3A_312, %broadcast_in_dim3A_33 : vector<16xi1>, vector<16xf32>
            %swap3A_318 = arith.constant 0 : i32
            %swap3A_319 = arith.index_cast %swap3A_318 : i32 to index
            %swap3A_320 = arith.index_cast %add3A_306 : i32 to index
            %swap3A_321 = tpu.vector_load %arg6[%swap3A_319, %swap3A_320] {strides = array<i32>} : memref<8x4096xf32, #tpu.memory_space<vmem>>, vector<1x16xf32>,
            %swap3A_322 = vector.shape_cast %swap3A_321 : vector<1x16xf32> to vector<16xf32>
            %swap3A_323 = vector.shape_cast %select_n3A_317 : vector<16xf32> to vector<1x16xf32>
            tpu.vector_store %arg6[%swap3A_319, %swap3A_320], %swap3A_323 {strides = array<i32>} : memref<8x4096xf32, #tpu.memory_space<vmem>>, vector<1x16xf32>,
            %add3A_324 = arith.constant 1 : i32
            %add3A_325 = arith.addi %mul3A_95, %add3A_324 : i32
            %eq3A_326 = vector.broadcast %add3A_325 : i32 to vector<16xi32>
            %eq3A_327 = arith.cmpi eq, %get3A_309, %eq3A_326 : vector<16xi32>
            %select_n3A_328 = arith.select %eq3A_327, %get3A_312, %broadcast_in_dim3A_33 : vector<16xi1>, vector<16xf32>
            %swap3A_329 = arith.constant 1 : i32
            %swap3A_330 = arith.index_cast %swap3A_329 : i32 to index
            %swap3A_331 = arith.index_cast %add3A_306 : i32 to index
            %swap3A_332 = tpu.vector_load %arg6[%swap3A_330, %swap3A_331] {strides = array<i32>} : memref<8x4096xf32, #tpu.memory_space<vmem>>, vector<1x16xf32>,
            %swap3A_333 = vector.shape_cast %swap3A_332 : vector<1x16xf32> to vector<16xf32>
            %swap3A_334 = vector.shape_cast %select_n3A_328 : vector<16xf32> to vector<1x16xf32>
            tpu.vector_store %arg6[%swap3A_330, %swap3A_331], %swap3A_334 {strides = array<i32>} : memref<8x4096xf32, #tpu.memory_space<vmem>>, vector<1x16xf32>,
            %add3A_335 = arith.constant 2 : i32
            %add3A_336 = arith.addi %mul3A_95, %add3A_335 : i32
            %eq3A_337 = vector.broadcast %add3A_336 : i32 to vector<16xi32>
            %eq3A_338 = arith.cmpi eq, %get3A_309, %eq3A_337 : vector<16xi32>
            %select_n3A_339 = arith.select %eq3A_338, %get3A_312, %broadcast_in_dim3A_33 : vector<16xi1>, vector<16xf32>
            %swap3A_340 = arith.constant 2 : i32
            %swap3A_341 = arith.index_cast %swap3A_340 : i32 to index
            %swap3A_342 = arith.index_cast %add3A_306 : i32 to index
            %swap3A_343 = tpu.vector_load %arg6[%swap3A_341, %swap3A_342] {strides = array<i32>} : memref<8x4096xf32, #tpu.memory_space<vmem>>, vector<1x16xf32>,
            %swap3A_344 = vector.shape_cast %swap3A_343 : vector<1x16xf32> to vector<16xf32>
            %swap3A_345 = vector.shape_cast %select_n3A_339 : vector<16xf32> to vector<1x16xf32>
            tpu.vector_store %arg6[%swap3A_341, %swap3A_342], %swap3A_345 {strides = array<i32>} : memref<8x4096xf32, #tpu.memory_space<vmem>>, vector<1x16xf32>,
            %add3A_346 = arith.constant 3 : i32
            %add3A_347 = arith.addi %mul3A_95, %add3A_346 : i32
            %eq3A_348 = vector.broadcast %add3A_347 : i32 to vector<16xi32>
            %eq3A_349 = arith.cmpi eq, %get3A_309, %eq3A_348 : vector<16xi32>
            %select_n3A_350 = arith.select %eq3A_349, %get3A_312, %broadcast_in_dim3A_33 : vector<16xi1>, vector<16xf32>
            %swap3A_351 = arith.constant 3 : i32
            %swap3A_352 = arith.index_cast %swap3A_351 : i32 to index
            %swap3A_353 = arith.index_cast %add3A_306 : i32 to index
            %swap3A_354 = tpu.vector_load %arg6[%swap3A_352, %swap3A_353] {strides = array<i32>} : memref<8x4096xf32, #tpu.memory_space<vmem>>, vector<1x16xf32>,
            %swap3A_355 = vector.shape_cast %swap3A_354 : vector<1x16xf32> to vector<16xf32>
            %swap3A_356 = vector.shape_cast %select_n3A_350 : vector<16xf32> to vector<1x16xf32>
            tpu.vector_store %arg6[%swap3A_352, %swap3A_353], %swap3A_356 {strides = array<i32>} : memref<8x4096xf32, #tpu.memory_space<vmem>>, vector<1x16xf32>,
            %add3A_357 = arith.constant 4 : i32
            %add3A_358 = arith.addi %mul3A_95, %add3A_357 : i32
            %eq3A_359 = vector.broadcast %add3A_358 : i32 to vector<16xi32>
            %eq3A_360 = arith.cmpi eq, %get3A_309, %eq3A_359 : vector<16xi32>
            %select_n3A_361 = arith.select %eq3A_360, %get3A_312, %broadcast_in_dim3A_33 : vector<16xi1>, vector<16xf32>
            %swap3A_362 = arith.constant 4 : i32
            %swap3A_363 = arith.index_cast %swap3A_362 : i32 to index
            %swap3A_364 = arith.index_cast %add3A_306 : i32 to index
            %swap3A_365 = tpu.vector_load %arg6[%swap3A_363, %swap3A_364] {strides = array<i32>} : memref<8x4096xf32, #tpu.memory_space<vmem>>, vector<1x16xf32>,
            %swap3A_366 = vector.shape_cast %swap3A_365 : vector<1x16xf32> to vector<16xf32>
            %swap3A_367 = vector.shape_cast %select_n3A_361 : vector<16xf32> to vector<1x16xf32>
            tpu.vector_store %arg6[%swap3A_363, %swap3A_364], %swap3A_367 {strides = array<i32>} : memref<8x4096xf32, #tpu.memory_space<vmem>>, vector<1x16xf32>,
            %add3A_368 = arith.constant 5 : i32
            %add3A_369 = arith.addi %mul3A_95, %add3A_368 : i32
            %eq3A_370 = vector.broadcast %add3A_369 : i32 to vector<16xi32>
            %eq3A_371 = arith.cmpi eq, %get3A_309, %eq3A_370 : vector<16xi32>
            %select_n3A_372 = arith.select %eq3A_371, %get3A_312, %broadcast_in_dim3A_33 : vector<16xi1>, vector<16xf32>
            %swap3A_373 = arith.constant 5 : i32
            %swap3A_374 = arith.index_cast %swap3A_373 : i32 to index
            %swap3A_375 = arith.index_cast %add3A_306 : i32 to index
            %swap3A_376 = tpu.vector_load %arg6[%swap3A_374, %swap3A_375] {strides = array<i32>} : memref<8x4096xf32, #tpu.memory_space<vmem>>, vector<1x16xf32>,
            %swap3A_377 = vector.shape_cast %swap3A_376 : vector<1x16xf32> to vector<16xf32>
            %swap3A_378 = vector.shape_cast %select_n3A_372 : vector<16xf32> to vector<1x16xf32>
            tpu.vector_store %arg6[%swap3A_374, %swap3A_375], %swap3A_378 {strides = array<i32>} : memref<8x4096xf32, #tpu.memory_space<vmem>>, vector<1x16xf32>,
            %add3A_379 = arith.constant 6 : i32
            %add3A_380 = arith.addi %mul3A_95, %add3A_379 : i32
            %eq3A_381 = vector.broadcast %add3A_380 : i32 to vector<16xi32>
            %eq3A_382 = arith.cmpi eq, %get3A_309, %eq3A_381 : vector<16xi32>
            %select_n3A_383 = arith.select %eq3A_382, %get3A_312, %broadcast_in_dim3A_33 : vector<16xi1>, vector<16xf32>
            %swap3A_384 = arith.constant 6 : i32
            %swap3A_385 = arith.index_cast %swap3A_384 : i32 to index
            %swap3A_386 = arith.index_cast %add3A_306 : i32 to index
            %swap3A_387 = tpu.vector_load %arg6[%swap3A_385, %swap3A_386] {strides = array<i32>} : memref<8x4096xf32, #tpu.memory_space<vmem>>, vector<1x16xf32>,
            %swap3A_388 = vector.shape_cast %swap3A_387 : vector<1x16xf32> to vector<16xf32>
            %swap3A_389 = vector.shape_cast %select_n3A_383 : vector<16xf32> to vector<1x16xf32>
            tpu.vector_store %arg6[%swap3A_385, %swap3A_386], %swap3A_389 {strides = array<i32>} : memref<8x4096xf32, #tpu.memory_space<vmem>>, vector<1x16xf32>,
            %add3A_390 = arith.constant 7 : i32
            %add3A_391 = arith.addi %mul3A_95, %add3A_390 : i32
            %eq3A_392 = vector.broadcast %add3A_391 : i32 to vector<16xi32>
            %eq3A_393 = arith.cmpi eq, %get3A_309, %eq3A_392 : vector<16xi32>
            %select_n3A_394 = arith.select %eq3A_393, %get3A_312, %broadcast_in_dim3A_33 : vector<16xi1>, vector<16xf32>
            %swap3A_395 = arith.constant 7 : i32
            %swap3A_396 = arith.index_cast %swap3A_395 : i32 to index
            %swap3A_397 = arith.index_cast %add3A_306 : i32 to index
            %swap3A_398 = tpu.vector_load %arg6[%swap3A_396, %swap3A_397] {strides = array<i32>} : memref<8x4096xf32, #tpu.memory_space<vmem>>, vector<1x16xf32>,
            %swap3A_399 = vector.shape_cast %swap3A_398 : vector<1x16xf32> to vector<16xf32>
            %swap3A_400 = vector.shape_cast %select_n3A_394 : vector<16xf32> to vector<1x16xf32>
            tpu.vector_store %arg6[%swap3A_396, %swap3A_397], %swap3A_400 {strides = array<i32>} : memref<8x4096xf32, #tpu.memory_space<vmem>>, vector<1x16xf32>,
            %add3A_401 = arith.constant 48 : i32
            %add3A_402 = arith.addi %mul3A_114, %add3A_401 : i32
            %get3A_403 = arith.index_cast %add3A_402 : i32 to index
            %get3A_404 = tpu.vector_load %arg7[%get3A_403] {strides = array<i32>} : memref<4096xi32, #tpu.memory_space<vmem>>, vector<16xi32>,
            %get3A_405 = vector.shape_cast %get3A_404 : vector<16xi32> to vector<16xi32>
            %get3A_406 = arith.index_cast %add3A_402 : i32 to index
            %get3A_407 = tpu.vector_load %arg8[%get3A_406] {strides = array<i32>} : memref<4096xf32, #tpu.memory_space<vmem>>, vector<16xf32>,
            %get3A_408 = vector.shape_cast %get3A_407 : vector<16xf32> to vector<16xf32>
            %add3A_409 = arith.constant 0 : i32
            %add3A_410 = arith.addi %mul3A_95, %add3A_409 : i32
            %eq3A_411 = vector.broadcast %add3A_410 : i32 to vector<16xi32>
            %eq3A_412 = arith.cmpi eq, %get3A_405, %eq3A_411 : vector<16xi32>
            %select_n3A_413 = arith.select %eq3A_412, %get3A_408, %broadcast_in_dim3A_33 : vector<16xi1>, vector<16xf32>
            %swap3A_414 = arith.constant 0 : i32
            %swap3A_415 = arith.index_cast %swap3A_414 : i32 to index
            %swap3A_416 = arith.index_cast %add3A_402 : i32 to index
            %swap3A_417 = tpu.vector_load %arg6[%swap3A_415, %swap3A_416] {strides = array<i32>} : memref<8x4096xf32, #tpu.memory_space<vmem>>, vector<1x16xf32>,
            %swap3A_418 = vector.shape_cast %swap3A_417 : vector<1x16xf32> to vector<16xf32>
            %swap3A_419 = vector.shape_cast %select_n3A_413 : vector<16xf32> to vector<1x16xf32>
            tpu.vector_store %arg6[%swap3A_415, %swap3A_416], %swap3A_419 {strides = array<i32>} : memref<8x4096xf32, #tpu.memory_space<vmem>>, vector<1x16xf32>,
            %add3A_420 = arith.constant 1 : i32
            %add3A_421 = arith.addi %mul3A_95, %add3A_420 : i32
            %eq3A_422 = vector.broadcast %add3A_421 : i32 to vector<16xi32>
            %eq3A_423 = arith.cmpi eq, %get3A_405, %eq3A_422 : vector<16xi32>
            %select_n3A_424 = arith.select %eq3A_423, %get3A_408, %broadcast_in_dim3A_33 : vector<16xi1>, vector<16xf32>
            %swap3A_425 = arith.constant 1 : i32
            %swap3A_426 = arith.index_cast %swap3A_425 : i32 to index
            %swap3A_427 = arith.index_cast %add3A_402 : i32 to index
            %swap3A_428 = tpu.vector_load %arg6[%swap3A_426, %swap3A_427] {strides = array<i32>} : memref<8x4096xf32, #tpu.memory_space<vmem>>, vector<1x16xf32>,
            %swap3A_429 = vector.shape_cast %swap3A_428 : vector<1x16xf32> to vector<16xf32>
            %swap3A_430 = vector.shape_cast %select_n3A_424 : vector<16xf32> to vector<1x16xf32>
            tpu.vector_store %arg6[%swap3A_426, %swap3A_427], %swap3A_430 {strides = array<i32>} : memref<8x4096xf32, #tpu.memory_space<vmem>>, vector<1x16xf32>,
            %add3A_431 = arith.constant 2 : i32
            %add3A_432 = arith.addi %mul3A_95, %add3A_431 : i32
            %eq3A_433 = vector.broadcast %add3A_432 : i32 to vector<16xi32>
            %eq3A_434 = arith.cmpi eq, %get3A_405, %eq3A_433 : vector<16xi32>
            %select_n3A_435 = arith.select %eq3A_434, %get3A_408, %broadcast_in_dim3A_33 : vector<16xi1>, vector<16xf32>
            %swap3A_436 = arith.constant 2 : i32
            %swap3A_437 = arith.index_cast %swap3A_436 : i32 to index
            %swap3A_438 = arith.index_cast %add3A_402 : i32 to index
            %swap3A_439 = tpu.vector_load %arg6[%swap3A_437, %swap3A_438] {strides = array<i32>} : memref<8x4096xf32, #tpu.memory_space<vmem>>, vector<1x16xf32>,
            %swap3A_440 = vector.shape_cast %swap3A_439 : vector<1x16xf32> to vector<16xf32>
            %swap3A_441 = vector.shape_cast %select_n3A_435 : vector<16xf32> to vector<1x16xf32>
            tpu.vector_store %arg6[%swap3A_437, %swap3A_438], %swap3A_441 {strides = array<i32>} : memref<8x4096xf32, #tpu.memory_space<vmem>>, vector<1x16xf32>,
            %add3A_442 = arith.constant 3 : i32
            %add3A_443 = arith.addi %mul3A_95, %add3A_442 : i32
            %eq3A_444 = vector.broadcast %add3A_443 : i32 to vector<16xi32>
            %eq3A_445 = arith.cmpi eq, %get3A_405, %eq3A_444 : vector<16xi32>
            %select_n3A_446 = arith.select %eq3A_445, %get3A_408, %broadcast_in_dim3A_33 : vector<16xi1>, vector<16xf32>
            %swap3A_447 = arith.constant 3 : i32
            %swap3A_448 = arith.index_cast %swap3A_447 : i32 to index
            %swap3A_449 = arith.index_cast %add3A_402 : i32 to index
            %swap3A_450 = tpu.vector_load %arg6[%swap3A_448, %swap3A_449] {strides = array<i32>} : memref<8x4096xf32, #tpu.memory_space<vmem>>, vector<1x16xf32>,
            %swap3A_451 = vector.shape_cast %swap3A_450 : vector<1x16xf32> to vector<16xf32>
            %swap3A_452 = vector.shape_cast %select_n3A_446 : vector<16xf32> to vector<1x16xf32>
            tpu.vector_store %arg6[%swap3A_448, %swap3A_449], %swap3A_452 {strides = array<i32>} : memref<8x4096xf32, #tpu.memory_space<vmem>>, vector<1x16xf32>,
            %add3A_453 = arith.constant 4 : i32
            %add3A_454 = arith.addi %mul3A_95, %add3A_453 : i32
            %eq3A_455 = vector.broadcast %add3A_454 : i32 to vector<16xi32>
            %eq3A_456 = arith.cmpi eq, %get3A_405, %eq3A_455 : vector<16xi32>
            %select_n3A_457 = arith.select %eq3A_456, %get3A_408, %broadcast_in_dim3A_33 : vector<16xi1>, vector<16xf32>
            %swap3A_458 = arith.constant 4 : i32
            %swap3A_459 = arith.index_cast %swap3A_458 : i32 to index
            %swap3A_460 = arith.index_cast %add3A_402 : i32 to index
            %swap3A_461 = tpu.vector_load %arg6[%swap3A_459, %swap3A_460] {strides = array<i32>} : memref<8x4096xf32, #tpu.memory_space<vmem>>, vector<1x16xf32>,
            %swap3A_462 = vector.shape_cast %swap3A_461 : vector<1x16xf32> to vector<16xf32>
            %swap3A_463 = vector.shape_cast %select_n3A_457 : vector<16xf32> to vector<1x16xf32>
            tpu.vector_store %arg6[%swap3A_459, %swap3A_460], %swap3A_463 {strides = array<i32>} : memref<8x4096xf32, #tpu.memory_space<vmem>>, vector<1x16xf32>,
            %add3A_464 = arith.constant 5 : i32
            %add3A_465 = arith.addi %mul3A_95, %add3A_464 : i32
            %eq3A_466 = vector.broadcast %add3A_465 : i32 to vector<16xi32>
            %eq3A_467 = arith.cmpi eq, %get3A_405, %eq3A_466 : vector<16xi32>
            %select_n3A_468 = arith.select %eq3A_467, %get3A_408, %broadcast_in_dim3A_33 : vector<16xi1>, vector<16xf32>
            %swap3A_469 = arith.constant 5 : i32
            %swap3A_470 = arith.index_cast %swap3A_469 : i32 to index
            %swap3A_471 = arith.index_cast %add3A_402 : i32 to index
            %swap3A_472 = tpu.vector_load %arg6[%swap3A_470, %swap3A_471] {strides = array<i32>} : memref<8x4096xf32, #tpu.memory_space<vmem>>, vector<1x16xf32>,
            %swap3A_473 = vector.shape_cast %swap3A_472 : vector<1x16xf32> to vector<16xf32>
            %swap3A_474 = vector.shape_cast %select_n3A_468 : vector<16xf32> to vector<1x16xf32>
            tpu.vector_store %arg6[%swap3A_470, %swap3A_471], %swap3A_474 {strides = array<i32>} : memref<8x4096xf32, #tpu.memory_space<vmem>>, vector<1x16xf32>,
            %add3A_475 = arith.constant 6 : i32
            %add3A_476 = arith.addi %mul3A_95, %add3A_475 : i32
            %eq3A_477 = vector.broadcast %add3A_476 : i32 to vector<16xi32>
            %eq3A_478 = arith.cmpi eq, %get3A_405, %eq3A_477 : vector<16xi32>
            %select_n3A_479 = arith.select %eq3A_478, %get3A_408, %broadcast_in_dim3A_33 : vector<16xi1>, vector<16xf32>
            %swap3A_480 = arith.constant 6 : i32
            %swap3A_481 = arith.index_cast %swap3A_480 : i32 to index
            %swap3A_482 = arith.index_cast %add3A_402 : i32 to index
            %swap3A_483 = tpu.vector_load %arg6[%swap3A_481, %swap3A_482] {strides = array<i32>} : memref<8x4096xf32, #tpu.memory_space<vmem>>, vector<1x16xf32>,
            %swap3A_484 = vector.shape_cast %swap3A_483 : vector<1x16xf32> to vector<16xf32>
            %swap3A_485 = vector.shape_cast %select_n3A_479 : vector<16xf32> to vector<1x16xf32>
            tpu.vector_store %arg6[%swap3A_481, %swap3A_482], %swap3A_485 {strides = array<i32>} : memref<8x4096xf32, #tpu.memory_space<vmem>>, vector<1x16xf32>,
            %add3A_486 = arith.constant 7 : i32
            %add3A_487 = arith.addi %mul3A_95, %add3A_486 : i32
            %eq3A_488 = vector.broadcast %add3A_487 : i32 to vector<16xi32>
            %eq3A_489 = arith.cmpi eq, %get3A_405, %eq3A_488 : vector<16xi32>
            %select_n3A_490 = arith.select %eq3A_489, %get3A_408, %broadcast_in_dim3A_33 : vector<16xi1>, vector<16xf32>
            %swap3A_491 = arith.constant 7 : i32
            %swap3A_492 = arith.index_cast %swap3A_491 : i32 to index
            %swap3A_493 = arith.index_cast %add3A_402 : i32 to index
            %swap3A_494 = tpu.vector_load %arg6[%swap3A_492, %swap3A_493] {strides = array<i32>} : memref<8x4096xf32, #tpu.memory_space<vmem>>, vector<1x16xf32>,
            %swap3A_495 = vector.shape_cast %swap3A_494 : vector<1x16xf32> to vector<16xf32>
            %swap3A_496 = vector.shape_cast %select_n3A_490 : vector<16xf32> to vector<1x16xf32>
            tpu.vector_store %arg6[%swap3A_492, %swap3A_493], %swap3A_496 {strides = array<i32>} : memref<8x4096xf32, #tpu.memory_space<vmem>>, vector<1x16xf32>,
          }
          %scan3A_110 = arith.constant 64 : i32
          %dma_start3A = tpu.memref_slice %arg4[%mul3A_95, %mul3A_32] : memref<1000x16384xf32, #tpu.memory_space<hbm>> -> memref<8x4096xf32, #tpu.memory_space<hbm>>
          %dma_start3A_111 = tpu.memref_slice %arg4[%mul3A_95, %mul3A_32] : memref<1000x16384xf32, #tpu.memory_space<hbm>> -> memref<8x4096xf32, #tpu.memory_space<hbm>>
          tpu.enqueue_dma source(%arg6 : memref<8x4096xf32, #tpu.memory_space<vmem>>) target(%dma_start3A_111 : memref<8x4096xf32, #tpu.memory_space<hbm>>) target_semaphore(%arg10 : memref<!tpu.dma_semaphore, #tpu.memory_space<semaphore_mem>>)
        } else {
        }
      } else {
      }
    }
    %scan3A_38 = arith.constant 16 : i32
    %add3A_39 = arith.constant 96 : i32
    %add3A_40 = arith.addi %select_n3A_30, %add3A_39 : i32
    %mul3A_41 = arith.constant 8 : i32
    %mul3A_42 = arith.muli %add3A_40, %mul3A_41 : i32
    %dma_wait3A = tpu.memref_slice %arg4[%mul3A_42, %mul3A_32] : memref<1000x16384xf32, #tpu.memory_space<hbm>> -> memref<8x4096xf32, #tpu.memory_space<hbm>>
    %dma_wait3A_43 = tpu.memref_slice %arg4[%mul3A_42, %mul3A_32] : memref<1000x16384xf32, #tpu.memory_space<hbm>> -> memref<8x4096xf32, #tpu.memory_space<hbm>>
    tpu.wait_dma2 semaphore(%arg9 : memref<!tpu.dma_semaphore, #tpu.memory_space<semaphore_mem>>) src(%arg5 : memref<8x4096xf32, #tpu.memory_space<vmem>>) dst(%dma_wait3A_43 : memref<8x4096xf32, #tpu.memory_space<hbm>>)
    %add3A_44 = arith.constant 104 : i32
    %add3A_45 = arith.addi %select_n3A_30, %add3A_44 : i32
    %mul3A_46 = arith.constant 8 : i32
    %mul3A_47 = arith.muli %add3A_45, %mul3A_46 : i32
    %dma_wait3A_48 = tpu.memref_slice %arg4[%mul3A_47, %mul3A_32] : memref<1000x16384xf32, #tpu.memory_space<hbm>> -> memref<8x4096xf32, #tpu.memory_space<hbm>>
    %dma_wait3A_49 = tpu.memref_slice %arg4[%mul3A_47, %mul3A_32] : memref<1000x16384xf32, #tpu.memory_space<hbm>> -> memref<8x4096xf32, #tpu.memory_space<hbm>>
    tpu.wait_dma2 semaphore(%arg10 : memref<!tpu.dma_semaphore, #tpu.memory_space<semaphore_mem>>) src(%arg6 : memref<8x4096xf32, #tpu.memory_space<vmem>>) dst(%dma_wait3A_49 : memref<8x4096xf32, #tpu.memory_space<hbm>>)
    return
  }
}

</mosaic_0001>

<sc_bundles>
// kernel: kernel.3.cloned.1.call-start
scs
__scs_entry_jumppad:
0x0: {  	(pc) =	sbr.rel $0x88, $3  }
0x1: {  	(tag) =	ssettag $0x0;
	lr =	simm.s32 $0x1  }
0x2: {  	[smem:$0x3F9F] =	sst lr;
	_ =	strace $0xD0000000  }
0x3: {  	_ = 	snop  }
0x4: {  	_ = 	snop  }
0x5: {  	_ = 	snop  }
0x6: {  	_ = 	snop  }
0x7: {  	_ = 	snop  }
__scs_overlays_trampoline_lowered:
0x8: {  	[smem:$0x3FAE] =	sst s0  }
0x9: {  	[smem:$0x3FAF] =	sst s1  }
0xa: {  	[smem:$0x3FB0] =	sst s2  }
0xb: {  	[smem:$0x3FB1] =	sst s3  }
0xc: {  	[smem:$0x3FB2] =	sst s4  }
0xd: {  	[smem:$0x3FB3] =	sst s5  }
0xe: {  	[smem:$0x3FB4] =	sst s6  }
0xf: {  	[smem:$0x3FB5] =	sst s7  }
0x10: {  	[smem:$0x3FB6] =	sst s8  }
0x11: {  	[smem:$0x3FB7] =	sst s9;
	s0 =	simm.s32 @!p0 $0x0  }
0x12: {  	s1 =	sld [smem:$0x3F9D];
	s0 =	simm.s32 @p0 $0x1  }
0x13: {  	[smem:$0x3FB8] =	sst s0;
	s0 =	simm.s32 @!p1 $0x0  }
0x14: {  	s2 =	sld [smem:$0x3F9C];
	s0 =	simm.s32 @p1 $0x1  }
0x15: {  	[smem:$0x3FB9] =	sst s0;
	s0 =	simm.s32 @!p2 $0x0  }
0x16: {  	s3 =	sld [smem:$0x3FDB];
	s0 =	simm.s32 @p2 $0x1  }
0x17: {  	s4 =	simm.s32 $0x1BF5;
	[smem:$0x3FBB] =	sst s0  }
0x18: {  	s0 =	sld [smem:$0x3F9E];
	_ =	swait.ge [sflag:s4], $0x0  }
0x19: {  	s7 =	sld [smem:$0x3F9F]  }
0x1a: {  	s8 =	sadd.s32 $0xFFFFE003, lr  }
0x1b: {  	s9 =	sadd.s32 $0xFFFFFEF7, lr;
	s5 =	simm.s32 $0xFFFFFFFF;
	p2 =	slt.u32 s8, $0xFFFFF086  }
0x1c: {  	p1 =	slt.u32 s9, $0xF7A;
	s5 =	simm.s32 @!p2 $0x0  }
0x1d: {  	s5 =	simm.s32 @p1 $0x1;
	p0 =	seq.s32 s7, s2  }
0x1e: {  	s7 =	smul.u32 @!p0 $0xF7A, s2;
	p2 =	seq.s32 @!p0 s5, $0x0  }
0x1f: {  	s9 =	smul.u32 $0xF7A, s1;
	s8 =	simm.s32 @!p0 $0x1BF5;
	p2 =	por !p2, p0  }
0x20: {  	[sflag:s8] =	ssyncset.s32 @!p0 $0xFFFFF086;
	s6 =	sadd.s32 @!p0 s3, s7;
	s7 =	simm.s32 @!p0 $0x108  }
0x21: {  	s3 =	sadd.s32 s3, s9;
	s6 =	sadd.s32 @!p0 $0x88, s6;
	s7 =	simm.s32 @p2 $0x1082  }
0x22: {  	[simem:s7], [sflag:s8] =	dma.local @!p0 [hbm:s6], $0xF7A  }
0x23: {  	s9 =	sor.u32 $0xD0000000, s2;
	s6 =	simm.s32 $0x108;
	_ =	swait.ge @!p0 [sflag:s8], $0x0  }
0x24: {  	s3 =	sadd.s32 $0x88, s3;
	s6 =	simm.s32 @!p1 $0x1082;
	[sflag:s4] =	ssyncset.s32 $0xFFFFF086  }
0x25: {  	[simem:s6], [sflag:s4] =	dma.local [hbm:s3], $0xF7A  }
0x26: {  	[smem:$0x3F9F] =	sst s1;
	(tag) =	ssettag s2;
	_ =	strace s9  }
0x27: {  	s1 =	sld [smem:$0x3FAF]  }
0x28: {  	s2 =	sld [smem:$0x3FB0]  }
0x29: {  	s4 =	sld [smem:$0x3FB2]  }
0x2a: {  	p0 =	seq.s32 s5, $0x0;
	s5 =	sld [smem:$0x3FB3]  }
0x2b: {  	s6 =	sld [smem:$0x3FB4]  }
0x2c: {  	s7 =	sld [smem:$0x3FB5]  }
0x2d: {  	s3 =	simm.s32 $0x108;
	s8 =	sld [smem:$0x3FB6]  }
0x2e: {  	s3 =	simm.s32 @!p0 $0x1082;
	s9 =	sld [smem:$0x3FB7]  }
0x2f: {  	lr =	sadd.s32 s0, s3;
	s0 =	sld [smem:$0x3FAE]  }
0x30: {  	s3 =	sld [smem:$0x3FB1]  }
0x31: {  	[smem:$0x3FBA] =	sst s10  }
0x32: {  	s10 =	sld [smem:$0x3FB8];
	_ =	sdelay $0x3  }
0x33: {  	p0 =	seq.s32 s10, $0x1;
	s10 =	sld [smem:$0x3FBA];
	_ =	sdelay $0x3  }
0x34: {  	[smem:$0x3FBA] =	sst s10  }
0x35: {  	s10 =	sld [smem:$0x3FB9];
	_ =	sdelay $0x3  }
0x36: {  	p1 =	seq.s32 s10, $0x1;
	s10 =	sld [smem:$0x3FBA];
	_ =	sdelay $0x3  }
0x37: {  	[smem:$0x3FBA] =	sst s10  }
0x38: {  	s10 =	sld [smem:$0x3FBB]  }
0x39: {  	_ = 	snop;
	(pc) =	sbr.ind lr, $3  }
0x3a: {  	_ = 	snop  }
0x3b: {  	_ = 	snop  }
0x3c: {  	p2 =	seq.s32 s10, $0x1;
	s10 =	sld [smem:$0x3FBA]  }
0x3d: {  	_ =	shalt  }
0x3e: {  	_ =	shalt  }
0x3f: {  	_ =	shalt  }
0x40: {  	_ =	shalt  }
0x41: {  	_ =	shalt  }
0x42: {  	_ =	shalt  }
0x43: {  	_ =	shalt  }
0x44: {  	_ =	shalt  }
0x45: {  	_ =	shalt  }
0x46: {  	_ =	shalt  }
0x47: {  	_ =	shalt  }
0x48: {  	_ =	shalt  }
0x49: {  	_ =	shalt  }
0x4a: {  	_ =	shalt  }
0x4b: {  	_ =	shalt  }
0x4c: {  	_ =	shalt  }
0x4d: {  	_ =	shalt  }
0x4e: {  	_ =	shalt  }
0x4f: {  	_ =	shalt  }
0x50: {  	_ =	shalt  }
0x51: {  	_ =	shalt  }
0x52: {  	_ =	shalt  }
0x53: {  	_ =	shalt  }
0x54: {  	_ =	shalt  }
0x55: {  	_ =	shalt  }
0x56: {  	_ =	shalt  }
0x57: {  	_ =	shalt  }
0x58: {  	_ =	shalt  }
0x59: {  	_ =	shalt  }
0x5a: {  	_ =	shalt  }
0x5b: {  	_ =	shalt  }
0x5c: {  	_ =	shalt  }
0x5d: {  	_ =	shalt  }
0x5e: {  	_ =	shalt  }
0x5f: {  	_ =	shalt  }
0x60: {  	_ =	shalt  }
0x61: {  	_ =	shalt  }
0x62: {  	_ =	shalt  }
0x63: {  	_ =	shalt  }
0x64: {  	_ =	shalt  }
0x65: {  	_ =	shalt  }
0x66: {  	_ =	shalt  }
0x67: {  	_ =	shalt  }
0x68: {  	_ =	shalt  }
0x69: {  	_ =	shalt  }
0x6a: {  	_ =	shalt  }
0x6b: {  	_ =	shalt  }
0x6c: {  	_ =	shalt  }
0x6d: {  	_ =	shalt  }
0x6e: {  	_ =	shalt  }
0x6f: {  	_ =	shalt  }
0x70: {  	_ =	shalt  }
0x71: {  	_ =	shalt  }
0x72: {  	_ =	shalt  }
0x73: {  	_ =	shalt  }
0x74: {  	_ =	shalt  }
0x75: {  	_ =	shalt  }
0x76: {  	_ =	shalt  }
0x77: {  	_ =	shalt  }
0x78: {  	_ =	shalt  }
0x79: {  	_ =	shalt  }
0x7a: {  	_ =	shalt  }
0x7b: {  	_ =	shalt  }
0x7c: {  	_ =	shalt  }
0x7d: {  	_ =	shalt  }
0x7e: {  	_ =	shalt  }
0x7f: {  	_ =	shalt  }
0x80: {  	_ =	shalt  }
0x81: {  	_ =	shalt  }
0x82: {  	_ =	shalt  }
0x83: {  	_ =	shalt  }
0x84: {  	_ =	shalt  }
0x85: {  	_ =	shalt  }
0x86: {  	_ =	shalt  }
0x87: {  	_ =	shalt  }
.Lfunc_end0:
.L_simem_size_0:
called_computation_lowered:
.L_overlay_start_0:
0x88: {  	s2 =	sld [smem:$0x3FD9]  }
0x89: {  	s3 =	sld [smem:$0x3FFE];
	_ =	sdelay $0x1  }
0x8a: {  	s1 =	srdreg.scid  }
0x8b: {  	s0 =	sand.u32 $0x1, s1  }
0x8c: {  	s17 =	sshll.u32 s0, $0xA;
	s2 =	sadd.s32 s3, s2  }
0x8d: {  	s2 =	sadd.s32 s2, s17  }
0x8e: {  	[smem:$0x3FC6] =	sst s2  }
0x8f: {  	_ = 	snop  }
0x90: {  	s2 =	sld [smem:$0x3FC8]  }
0x91: {  	s18 =	sld [smem:$0x3FD0];
	(tm) =	ssettm $0x1  }
0x92: {  	s4 =	sld [smem:$0x3FFB];
	_ =	sdelay $0x3  }
0x93: {  	_ =	strace s4  }
0x94: {  	s4 =	sld [smem:$0x3FFC];
	_ =	sdelay $0x3  }
0x95: {  	_ =	strace s4  }
0x96: {  	s4 =	sld [smem:$0x3FFD];
	_ =	sdelay $0x3  }
0x97: {  	_ =	strace s4  }
0x98: {  	_ =	strace $0x8FFFFFFF  }
0x99: {  	s19 =	sld [smem:$0x3FDB];
	_ =	sdelay $0x1  }
0x9a: {  	s5 =	simm.s32 $_scs_section_size  }
0x9b: {  	s6 =	simm.s32 $_size__tile_overlayer_lowered;
	s7 =	simm.s32 $_tile_overlayer_lowered  }
0x9c: {  	s22 =	simm.s32 $0x1BFF;
	s21 =	sshll.u32 s7, $0x1;
	s4 =	sadd.s32 s5, s19  }
0x9d: {  	s8 =	simm.s32 $0x0;
	s20 =	sshll.u32 s6, $0x1;
	s6 =	sadd.s32 s21, s4  }
0x9e: {  	[timem:s8], [sflag:s22] =	dma.local [hbm:s6], s20  }
0x9f: {  	_ =	swait.ge [sflag:s22], s20  }
0xa0: {  	s5 =	ssub.s32 $0x0, s20;
	[sflag:s22] =	ssyncset.done $0x0  }
0xa1: {  	[sflag:s22] =	ssyncadd.s32 s5;
	_ =	sdelay $0x1  }
0xa2: {  	s23 =	simm.s32 $0x1B8B  }
0xa3: {  	_ =	swait.ge [sflag:s23], $0x1  }
0xa4: {  	[sflag:s23] =	ssyncset.done $0x0  }
0xa5: {  	s25 =	simm.s32 $0x1B8E;
	s24 =	sld [smem:$0x3FFE];
	[sflag:s23] =	ssyncadd.s32 $0xFFFFFFFF  }
0xa6: {  	s26 =	simm.s32 $execute0_lowered;
	[smem:$0x3FD2] =	sst s25  }
0xa7: {  	s6 =	sshll.u32 s26, $0x1;
	_ =	strace $0x80000046;
	[dreg:$0x1] =	wrdreg $0xFFFFFFFF  }
0xa8: {  	s28 =	simm.s32 $_size_execute0_lowered;
	s4 =	sadd.s32 s4, s6;
	[dreg:$0x0] =	wrdreg $0x0  }
0xa9: {  	s6 =	sshll.u32 s28, $0x1;
	[dreg:$0x2] =	wrdreg s4  }
0xaa: {  	[dreg:$0x3] =	wrdreg s6  }
0xab: {  	[dreg:$0x4] =	wrdreg $0xC0  }
0xac: {  	_ =	task [dreg:s8], $0x5FFFF  }
0xad: {  	[dreg:$0x1] =	wrdreg $0xFFFFFFFF  }
0xae: {  	[dreg:$0x0] =	wrdreg $0x60  }
0xaf: {  	[dreg:$0x2] =	wrdreg s2  }
0xb0: {  	[dreg:$0x3] =	wrdreg s24  }
0xb1: {  	[dreg:$0x4] =	wrdreg s18  }
0xb2: {  	[dreg:$0x5] =	wrdreg $0x9  }
0xb3: {  	_ =	task.clear_ibuf [dreg:s8], $0x6FFFF;
	_ =	strace $0x90000046  }
0xb4: {  	s29 =	simm.s32 $0x9;
	_ =	strace $0x80000048  }
0xb5: {  	_ =	swait.ge [sflag:s29], $0x1  }
0xb6: {  	[sflag:s29] =	ssyncadd.s32 $0xFFFFFFFF  }
0xb7: {  	_ =	strace $0x90000048  }
0xb8: {  	_ =	sfence  }
0xb9: {  	s30 =	sld [smem:$0x0];
	_ =	sdelay $0x2  }
0xba: {  	s31 =	sshll.u32 s1, $0xD;
	s1 =	sshrl.u32 s1, $0x2  }
0xbb: {  	s3 =	sand.u32 $0x4000, s31;
	s1 =	sadd.s32 s1, s30  }
0xbc: {  	s0 =	sor.u32 s3, s0;
	s1 =	sshll.u32 s1, $0x11  }
0xbd: {  	s0 =	sor.u32 s1, s0  }
0xbe: {  	s0 =	sadd.s32 $0x8F2B, s0  }
0xbf: {  	[sflag:s0] =	ssyncadd.remote.s32 $0x1  }
0xc0: {  	_ =	sfence.sel $0xFFFF  }
0xc1: {  	[dreg:$0x0] =	wrdreg $0xFFFFFFFF;
	(pc) =	sbr.abs _section_cstart, $3  }
0xc2: {  	[dreg:$0x1] =	wrdreg $0xFFFFFFFF  }
0xc3: {  	_ =	task.clear_ibuf [dreg:s8], $0x2FFFF;
	_ =	strace $0x9FFFFFFF  }
0xc4: {  	(tm) =	ssettm $0x7FFFFFFF  }
0xc5: {  	_ =	shalt  }
tec
execute0_lowered:
.L_overlay_start_1:
0x0: {  	(tag) =	ssettag $0x1  }
0x1: {  	s4 =	rddreg [dreg:$0x0]  }
0x2: {  	s3 =	rddreg [dreg:$0x1]  }
0x3: {  	s6 =	rddreg [dreg:$0x2]  }
0x4: {  	s1 =	stileid.u32;
	s0 =	rddreg [dreg:$0x3]  }
0x5: {  	s5 =	srdreg.scid;
	s2 =	simm.s32 $0x0;
	s11 =	simm.s32 $0x1  }
0x6: {  	s12 =	simm.s32 $0x8000;
	s13 =	simm.s32 $0x2;
	s7 =	sshll.u32 s1, $0x1  }
0x7: {  	s5 =	sand.u32 $0x1, s5;
	[smem:$0x7FF] =	sst s2;
	s7 =	sand.u32 $0x2, s7  }
0x8: {  	s14 =	simm.s32 $0x0;
	_ =	strace $0x80000047;
	s7 =	sor.u32 s5, s7  }
.Ltmp0:
0x9: {  	s5 =	ssub.s32 $0x2, s5;
	s8 =	sshll.u32 s7, $0x9;
	(pc) =	sbr.rel .LBB2_1-.Ltmp0, $4  }
0xa: {  	s9 =	sshrl.u32 s5, $0x1;
	s7 =	sshll.u32 s7, $0xC;
	s10 =	sadd.s32 s8, s3  }
0xb: {  	s9 =	ssub.s32 s5, s9;
	s3 =	sshrl.u32 s1, $0x1;
	s4 =	sadd.s32 s4, s8  }
0xc: {  	s6 =	sadd.s32 s6, s7;
	s8 =	simm.s32 $0x10000;
	s5 =	sadd.s32 $0x400, s10  }
0xd: {  	s7 =	smax.u32 s9, $0x1;
	s9 =	simm.s32 $0x3;
	s10 =	simm.s32 $0x11000  }
.LBB2_12:
0xe: {  	s14 =	sadd.s32 $0x1, s14  }
0xf: {  	_ =	swait.ge [sflag:s11], $0x8000;
	p0 =	sne.s32 s14, s7  }
.Ltmp1:
0x10: {  	[sflag:s11] =	ssyncset.done $0x0;
	(pc) =	sbr.rel @!p0 .LBB2_13-.Ltmp1, $4  }
0x11: {  	[sflag:s11] =	ssyncadd.s32 $0xFFFF8000  }
0x12: {  	_ =	swait.ge [sflag:s13], $0x8000  }
0x13: {  	[sflag:s13] =	ssyncset.done $0x0  }
0x14: {  	[sflag:s13] =	ssyncadd.s32 $0xFFFF8000  }
.LBB2_1:
0x15: {  	[tilespmem:s8], [sflag:$0x3] =	stream.linear.gather [hbm4b:s4+s2], $0x1000, $0x38;
	[tilespmem:$0x12000] =	vst v63  }
0x16: {  	_ =	swait.ge [sflag:s9], $0x1000  }
0x17: {  	[sflag:s9] =	ssyncset.done $0x0  }
.Ltmp2:
0x18: {  	[sflag:s9] =	ssyncadd.s32 $0xFFFFF000;
	(pc) =	sbr.rel .LBB2_2-.Ltmp2, $4  }
0x19: {  	[tilespmem:s10], [sflag:$0x3] =	stream.linear.gather [hbm4b:s5+s2], $0x1000, $0x38;
	[tilespmem:$0x12000] =	vst v63  }
0x1a: {  	_ =	swait.ge [sflag:s9], $0x1000  }
0x1b: {  	[sflag:s9] =	ssyncset.done $0x0  }
0x1c: {  	s15 =	simm.s32 $0x0;
	[sflag:s9] =	ssyncadd.s32 $0xFFFFF000  }
.LBB2_6:
0x1d: {  	vm0 =	veq.s32 v9, v0  }
0x1e: {  	vm1 =	veq.s32 v9, v5;
	s17 =	sor.u32 s23, s19;
	v0 =	vnsel vm0, $0x0, v8  }
0x1f: {  	vm10 =	veq.s32 v9, v1;
	v58 =	vnsel vm1, $0x0, v8;
	[tilespmem:s17+$0x0] =	vst v0  }
0x20: {  	vm11 =	veq.s32 v9, v2;
	v1 =	vnsel vm10, $0x0, v8;
	[tilespmem:s17+$0x100] =	vst v58  }
0x21: {  	vm12 =	veq.s32 v9, v3;
	v59 =	vnsel vm11, $0x0, v8;
	[tilespmem:s17+$0x80] =	vst v1  }
0x22: {  	vm13 =	veq.s32 v9, v4;
	s18 =	sor.u32 $0x200, s22;
	v60 =	vnsel vm12, $0x0, v8;
	[tilespmem:s17+$0x180] =	vst v59  }
0x23: {  	vm14 =	veq.s32 v9, v6;
	s29 =	sor.u32 $0x280, s22;
	v61 =	vnsel vm13, $0x0, v8;
	[tilespmem:s18+$0x0] =	vst v60  }
0x24: {  	vm15 =	veq.s32 v9, v7;
	s30 =	sor.u32 $0x300, s22;
	v62 =	vnsel vm14, $0x0, v8;
	[tilespmem:s29+$0x0] =	vst v61  }
0x25: {  	s31 =	sor.u32 $0x380, s22;
	s16 =	sshll.u32 s16, $0xE;
	v63 =	vnsel vm15, $0x0, v8;
	[tilespmem:s30+$0x0] =	vst v62  }
0x26: {  	s16 =	sadd.s32 s16, s6;
	[tilespmem:s31+$0x0] =	vst v63  }
0x27: {  	[hbm4b:s16+s2] =	stream.linear.scatter [tilespmem:s2], [sflag:$0x1], $0x8000, $0x38;
	[tilespmem:$0x12000] =	vst v63  }
.LBB2_11:
0x28: {  	s15 =	sadd.s32 $0x1, s15  }
0x29: {  	p0 =	sne.s32 s15, $0x10  }
.Ltmp3:
0x2a: {  	_ = 	snop;
	(pc) =	sbr.rel @!p0 .LBB2_12-.Ltmp3, $1  }
0x2b: {  	_ =	sdelay $0x3  }
.LBB2_2:
0x2c: {  	s16 =	sand.u32 $0x1, s15  }
0x2d: {  	p1 =	seq.s32 s16, $0x1  }
.Ltmp4:
0x2e: {  	_ = 	snop;
	(pc) =	sbr.rel @!p1 .LBB2_3-.Ltmp4, $4  }
0x2f: {  	_ = 	snop  }
0x30: {  	s17 =	sshll.u32 s15, $0x3  }
0x31: {  	s16 =	sor.u32 s3, s17  }
0x32: {  	s21 =	sshll.u32 s16, $0x3;
	p0 =	sgt.u32 s16, $0x7C  }
.Ltmp5:
0x33: {  	(pc) =	sbr.rel @p0 .LBB2_11-.Ltmp5, $1  }
0x34: {  	_ =	sdelay $0x3  }
0x35: {  	p0 =	slt.u32 s15, $0x2  }
0x36: {  	s17 =	simm.s32 @!p0 $0x2  }
0x37: {  	_ =	swait.ge @!p0 [sflag:s17], $0x8000  }
0x38: {  	[sflag:s17] =	ssyncset.done @!p0 $0x0  }
0x39: {  	[sflag:s17] =	ssyncadd.s32 @!p0 $0xFFFF8000;
	s17 =	simm.s32 $0x10000  }
0x3a: {  	s18 =	simm.s32 $0x11000;
	v8 =	vld [tilespmem:s17+$0x0]  }
0x3b: {  	v9 =	vld [tilespmem:s18+$0x0];
	_ =	sdelay $0x1  }
0x3c: {  	s18 =	simm.s32 $0x0  }
0x3d: {  	v0 =	vmov s21;
	s19 =	sor.u32 $0x1, s21;
	s22 =	sor.u32 $0x2, s21;
	s23 =	sand.u32 $0x7C00, s18  }
0x3e: {  	s24 =	sor.u32 $0x3, s21;
	v1 =	vmov s19;
	s20 =	sand.u32 $0x40, s18;
	s19 =	sor.u32 $0x8000, s23;
	vm0 =	veq.s32 v8, v0  }
0x3f: {  	v2 =	vmov s24;
	s24 =	simm.s32 $0x1;
	p0 =	por $0x0, $0x0;
	s23 =	sor.u32 s20, s19;
	vm1 =	veq.s32 v8, v1;
	v4 =	vnsel vm0, $0x0, v9  }
0x40: {  	s30 =	sor.u32 $0x4, s21;
	v3 =	vmov s22;
	s24 =	simm.s32 @!p0 $0x0;
	vm6 =	veq.s32 v8, v2;
	v5 =	vnsel vm1, $0x0, v9;
	[tilespmem:s23+$0x0] =	vst v4  }
0x41: {  	s31 =	sor.u32 $0x5, s21;
	s24 =	sshll.u32 s24, $0x6;
	vm7 =	veq.s32 v8, v3;
	v6 =	vnsel vm6, $0x0, v9;
	v4 =	vmov s30;
	[tilespmem:s23+$0x80] =	vst v5  }
0x42: {  	s25 =	sor.u32 $0x6, s21;
	s22 =	sadd.s32 $0x0, s24;
	v7 =	vnsel vm7, $0x0, v9;
	v5 =	vmov s31;
	[tilespmem:s23+$0x180] =	vst v6;
	vm8 =	veq.s32 v8, v4  }
0x43: {  	s26 =	sor.u32 $0x200, s22;
	v6 =	vmov s25;
	s25 =	sor.u32 $0x7, s21;
	[tilespmem:s23+$0x100] =	vst v7;
	vm9 =	veq.s32 v8, v5;
	v10 =	vnsel vm8, $0x0, v9  }
0x44: {  	s28 =	sor.u32 $0x280, s22;
	v7 =	vmov s25;
	vm10 =	veq.s32 v8, v6;
	v11 =	vnsel vm9, $0x0, v9;
	[tilespmem:s26+$0x8000] =	vst v10  }
0x45: {  	s29 =	sor.u32 $0x300, s22;
	vm11 =	veq.s32 v8, v7;
	v8 =	vnsel vm10, $0x0, v9;
	[tilespmem:s28+$0x8000] =	vst v11  }
0x46: {  	s24 =	sor.u32 $0x380, s22;
	s30 =	sor.u32 $0x10, s20;
	s21 =	sand.u32 $0xF80, s18;
	v9 =	vnsel vm11, $0x0, v9;
	[tilespmem:s29+$0x8000] =	vst v8  }
0x47: {  	s31 =	sor.u32 s21, s30;
	[tilespmem:s24+$0x8000] =	vst v9  }
0x48: {  	v8 =	vld [tilespmem:s31+$0x10000]  }
0x49: {  	v9 =	vld [tilespmem:s31+$0x11000];
	_ =	sdelay $0x3  }
0x4a: {  	vm12 =	veq.s32 v8, v0  }
0x4b: {  	s23 =	sor.u32 s30, s19;
	vm13 =	veq.s32 v8, v1;
	v10 =	vnsel vm12, $0x0, v9  }
0x4c: {  	vm14 =	veq.s32 v8, v2;
	v11 =	vnsel vm13, $0x0, v9;
	[tilespmem:s23+$0x0] =	vst v10  }
0x4d: {  	vm15 =	veq.s32 v8, v3;
	v10 =	vnsel vm14, $0x0, v9;
	[tilespmem:s23+$0x80] =	vst v11  }
0x4e: {  	s25 =	sadd.s32 $0x10, s22;
	vm4 =	veq.s32 v8, v4;
	v11 =	vnsel vm15, $0x0, v9;
	[tilespmem:s23+$0x180] =	vst v10  }
0x4f: {  	s26 =	sor.u32 $0x200, s25;
	vm5 =	veq.s32 v8, v5;
	v10 =	vnsel vm4, $0x0, v9;
	[tilespmem:s23+$0x100] =	vst v11  }
0x50: {  	s28 =	sor.u32 $0x280, s25;
	vm6 =	veq.s32 v8, v6;
	v11 =	vnsel vm5, $0x0, v9;
	[tilespmem:s26+$0x8000] =	vst v10  }
0x51: {  	s29 =	sor.u32 $0x300, s25;
	vm7 =	veq.s32 v8, v7;
	v10 =	vnsel vm6, $0x0, v9;
	[tilespmem:s28+$0x8000] =	vst v11  }
0x52: {  	s30 =	sor.u32 $0x20, s20;
	s31 =	sor.u32 $0x380, s25;
	v8 =	vnsel vm7, $0x0, v9;
	[tilespmem:s29+$0x8000] =	vst v10  }
0x53: {  	s24 =	sor.u32 s21, s30;
	[tilespmem:s31+$0x8000] =	vst v8  }
0x54: {  	v8 =	vld [tilespmem:s24+$0x10000]  }
0x55: {  	v9 =	vld [tilespmem:s24+$0x11000];
	_ =	sdelay $0x3  }
0x56: {  	vm8 =	veq.s32 v8, v1  }
0x57: {  	s26 =	sor.u32 s30, s19;
	vm10 =	veq.s32 v8, v0;
	v10 =	vnsel vm8, $0x0, v9  }
0x58: {  	vm9 =	veq.s32 v8, v2;
	v11 =	vnsel vm10, $0x0, v9;
	[tilespmem:s26+$0x80] =	vst v10  }
0x59: {  	vm11 =	veq.s32 v8, v3;
	v10 =	vnsel vm9, $0x0, v9;
	[tilespmem:s26+$0x0] =	vst v11  }
0x5a: {  	s28 =	sadd.s32 $0x20, s22;
	vm12 =	veq.s32 v8, v4;
	[tilespmem:s26+$0x180] =	vst v10;
	v10 =	vnsel vm11, $0x0, v9  }
0x5b: {  	s29 =	sor.u32 $0x200, s28;
	vm13 =	veq.s32 v8, v5;
	v11 =	vnsel vm12, $0x0, v9;
	[tilespmem:s26+$0x100] =	vst v10  }
0x5c: {  	s30 =	sor.u32 $0x280, s28;
	vm14 =	veq.s32 v8, v6;
	v10 =	vnsel vm13, $0x0, v9;
	[tilespmem:s29+$0x8000] =	vst v11  }
0x5d: {  	s31 =	sor.u32 $0x300, s28;
	vm15 =	veq.s32 v8, v7;
	v11 =	vnsel vm14, $0x0, v9;
	[tilespmem:s30+$0x8000] =	vst v10  }
0x5e: {  	s23 =	sor.u32 $0x30, s20;
	s24 =	sor.u32 $0x380, s28;
	v8 =	vnsel vm15, $0x0, v9;
	[tilespmem:s31+$0x8000] =	vst v11  }
0x5f: {  	s21 =	sor.u32 s21, s23;
	[tilespmem:s24+$0x8000] =	vst v8  }
0x60: {  	v9 =	vld [tilespmem:s21+$0x10000]  }
0x61: {  	s20 =	simm.s32 $0x200;
	s22 =	sadd.s32 $0x30, s22;
	v8 =	vld [tilespmem:s21+$0x11000];
	s21 =	simm.s32 $0x11040  }
.LBB2_9:
0x62: {  	p0 =	por !p0, !p0;
	s18 =	sadd.s32 $0x40, s18;
	s17 =	sadd.s32 $0x40, s17  }
0x63: {  	p1 =	sne.s32 s20, $0x7E00;
	s24 =	smov.u32 s20;
	s20 =	sadd.s32 $0x200, s20  }
0x64: {  	_ = 	snop  }
0x65: {  	vm0 =	veq.s32 v9, v0;
	vm1 =	veq.s32 v9, v1;
	vm2 =	veq.s32 v9, v3  }
0x66: {  	s19 =	sor.u32 s23, s19;
	v10 =	vnsel vm0, $0x0, v8;
	v11 =	vnsel vm1, $0x0, v8;
	vm0 =	veq.s32 v9, v2  }
0x67: {  	[tilespmem:s19+$0x0] =	vst v10;
	v10 =	vnsel vm2, $0x0, v8;
	v12 =	vnsel vm0, $0x0, v8;
	vm0 =	veq.s32 v9, v4  }
0x68: {  	vm1 =	veq.s32 v9, v6;
	[tilespmem:s19+$0x80] =	vst v11;
	v11 =	vnsel vm0, $0x0, v8;
	vm0 =	veq.s32 v9, v5  }
0x69: {  	s23 =	sor.u32 $0x200, s22;
	v13 =	vnsel vm1, $0x0, v8;
	[tilespmem:s19+$0x180] =	vst v12;
	v12 =	vnsel vm0, $0x0, v8;
	vm0 =	veq.s32 v9, v7  }
0x6a: {  	[tilespmem:s19+$0x100] =	vst v10;
	s19 =	sor.u32 $0x280, s22;
	v8 =	vnsel vm0, $0x0, v8  }
0x6b: {  	[tilespmem:s23+$0x8000] =	vst v11;
	s23 =	sor.u32 $0x300, s22  }
0x6c: {  	[tilespmem:s19+$0x8000] =	vst v12;
	s19 =	sor.u32 $0x380, s22  }
0x6d: {  	[tilespmem:s23+$0x8000] =	vst v13  }
0x6e: {  	[tilespmem:s19+$0x8000] =	vst v8  }
0x6f: {  	v8 =	vld [tilespmem:s17+$0x0]  }
0x70: {  	v9 =	vld [tilespmem:s21+$0x0];
	_ =	sdelay $0x2  }
0x71: {  	s19 =	sand.u32 $0x7C00, s24  }
0x72: {  	s26 =	simm.s32 $0x1;
	s23 =	sand.u32 $0x40, s18;
	s19 =	sor.u32 $0x8000, s19;
	vm0 =	veq.s32 v8, v0;
	vm1 =	veq.s32 v8, v1;
	vm2 =	veq.s32 v8, v5  }
0x73: {  	s28 =	sor.u32 $0x10, s23;
	s25 =	sor.u32 $0x20, s23;
	s22 =	sor.u32 s23, s19;
	vm3 =	veq.s32 v8, v4;
	v10 =	vnsel vm0, $0x0, v9;
	vm0 =	veq.s32 v8, v2  }
0x74: {  	s26 =	simm.s32 @!p0 $0x0;
	[tilespmem:s22+$0x0] =	vst v10;
	v10 =	vnsel vm1, $0x0, v9;
	vm1 =	veq.s32 v8, v3;
	v11 =	vnsel vm0, $0x0, v9  }
0x75: {  	s26 =	sshll.u32 s26, $0x6;
	v12 =	vnsel vm3, $0x0, v9;
	v13 =	vnsel vm2, $0x0, v9;
	[tilespmem:s22+$0x80] =	vst v10;
	v10 =	vnsel vm1, $0x0, v9  }
0x76: {  	s26 =	sadd.s32 s26, s24;
	vm0 =	veq.s32 v8, v6;
	vm1 =	veq.s32 v8, v7;
	[tilespmem:s22+$0x180] =	vst v11  }
0x77: {  	s29 =	sadd.s32 $0x10, s26;
	s24 =	sadd.s32 $0x20, s26;
	v8 =	vnsel vm0, $0x0, v9;
	v9 =	vnsel vm1, $0x0, v9;
	[tilespmem:s22+$0x100] =	vst v10;
	s22 =	sor.u32 $0x200, s26  }
0x78: {  	s30 =	sor.u32 $0x280, s26;
	[tilespmem:s22+$0x8000] =	vst v12;
	s22 =	sadd.s32 $0x30, s26  }
0x79: {  	[tilespmem:s30+$0x8000] =	vst v13;
	s30 =	sor.u32 $0x300, s26  }
0x7a: {  	[tilespmem:s30+$0x8000] =	vst v8;
	s30 =	sor.u32 $0x380, s26;
	s26 =	sand.u32 $0xF80, s18  }
0x7b: {  	[tilespmem:s30+$0x8000] =	vst v9;
	s30 =	sor.u32 s26, s28  }
0x7c: {  	v8 =	vld [tilespmem:s30+$0x10000]  }
0x7d: {  	v9 =	vld [tilespmem:s30+$0x11000];
	_ =	sdelay $0x3  }
0x7e: {  	vm0 =	veq.s32 v8, v0;
	vm1 =	veq.s32 v8, v1;
	vm2 =	veq.s32 v8, v3  }
0x7f: {  	s28 =	sor.u32 s28, s19;
	v10 =	vnsel vm0, $0x0, v9;
	v11 =	vnsel vm1, $0x0, v9;
	vm0 =	veq.s32 v8, v2  }
0x80: {  	[tilespmem:s28+$0x0] =	vst v10;
	v10 =	vnsel vm2, $0x0, v9;
	v12 =	vnsel vm0, $0x0, v9;
	vm0 =	veq.s32 v8, v4  }
0x81: {  	vm1 =	veq.s32 v8, v6;
	[tilespmem:s28+$0x80] =	vst v11;
	v11 =	vnsel vm0, $0x0, v9;
	vm0 =	veq.s32 v8, v5  }
0x82: {  	v13 =	vnsel vm1, $0x0, v9;
	[tilespmem:s28+$0x180] =	vst v12;
	v12 =	vnsel vm0, $0x0, v9;
	vm0 =	veq.s32 v8, v7  }
0x83: {  	[tilespmem:s28+$0x100] =	vst v10;
	s28 =	sor.u32 $0x200, s29;
	v8 =	vnsel vm0, $0x0, v9  }
0x84: {  	[tilespmem:s28+$0x8000] =	vst v11;
	s28 =	sor.u32 $0x280, s29  }
0x85: {  	[tilespmem:s28+$0x8000] =	vst v12;
	s28 =	sor.u32 $0x300, s29  }
0x86: {  	[tilespmem:s28+$0x8000] =	vst v13;
	s28 =	sor.u32 $0x380, s29  }
0x87: {  	[tilespmem:s28+$0x8000] =	vst v8;
	s28 =	sor.u32 s26, s25  }
0x88: {  	v8 =	vld [tilespmem:s28+$0x10000]  }
0x89: {  	v9 =	vld [tilespmem:s28+$0x11000];
	_ =	sdelay $0x3  }
0x8a: {  	vm0 =	veq.s32 v8, v0;
	vm1 =	veq.s32 v8, v1;
	vm2 =	veq.s32 v8, v3  }
0x8b: {  	s25 =	sor.u32 s25, s19;
	v10 =	vnsel vm0, $0x0, v9;
	v11 =	vnsel vm1, $0x0, v9;
	vm0 =	veq.s32 v8, v2  }
0x8c: {  	[tilespmem:s25+$0x80] =	vst v11;
	v11 =	vnsel vm2, $0x0, v9;
	v12 =	vnsel vm0, $0x0, v9;
	vm0 =	veq.s32 v8, v4  }
0x8d: {  	vm1 =	veq.s32 v8, v6;
	[tilespmem:s25+$0x180] =	vst v12;
	v12 =	vnsel vm0, $0x0, v9;
	vm0 =	veq.s32 v8, v5  }
0x8e: {  	v13 =	vnsel vm1, $0x0, v9;
	[tilespmem:s25+$0x0] =	vst v10;
	v10 =	vnsel vm0, $0x0, v9;
	vm0 =	veq.s32 v8, v7  }
0x8f: {  	[tilespmem:s25+$0x100] =	vst v11;
	s25 =	sor.u32 $0x200, s24;
	v8 =	vnsel vm0, $0x0, v9  }
0x90: {  	[tilespmem:s25+$0x8000] =	vst v12;
	s25 =	sor.u32 $0x280, s24  }
.Ltmp6:
0x91: {  	[tilespmem:s25+$0x8000] =	vst v10;
	s25 =	sor.u32 $0x300, s24;
	(pc) =	sbr.rel @p1 .LBB2_9-.Ltmp6, $4  }
0x92: {  	s23 =	sor.u32 $0x30, s23;
	s24 =	sor.u32 $0x380, s24;
	[tilespmem:s25+$0x8000] =	vst v13  }
0x93: {  	[tilespmem:s24+$0x8000] =	vst v8;
	s24 =	sor.u32 s26, s23  }
0x94: {  	v9 =	vld [tilespmem:s24+$0x10000]  }
0x95: {  	s21 =	sadd.s32 $0x40, s21;
	v8 =	vld [tilespmem:s24+$0x11000]  }
0x96: {  	_ =	sdelay $0x2  }
0x97: {  	vm0 =	veq.s32 v9, v0  }
0x98: {  	s17 =	sor.u32 s23, s19;
	vm1 =	veq.s32 v9, v1;
	v0 =	vnsel vm0, $0x0, v8  }
0x99: {  	vm10 =	veq.s32 v9, v2;
	v1 =	vnsel vm1, $0x0, v8;
	[tilespmem:s17+$0x0] =	vst v0  }
0x9a: {  	vm11 =	veq.s32 v9, v3;
	v58 =	vnsel vm10, $0x0, v8;
	[tilespmem:s17+$0x80] =	vst v1  }
0x9b: {  	vm12 =	veq.s32 v9, v4;
	v59 =	vnsel vm11, $0x0, v8;
	[tilespmem:s17+$0x180] =	vst v58  }
0x9c: {  	s18 =	sor.u32 $0x200, s22;
	vm13 =	veq.s32 v9, v5;
	v60 =	vnsel vm12, $0x0, v8;
	[tilespmem:s17+$0x100] =	vst v59  }
.Ltmp7:
0x9d: {  	s29 =	sor.u32 $0x280, s22;
	vm14 =	veq.s32 v9, v6;
	v61 =	vnsel vm13, $0x0, v8;
	[tilespmem:s18+$0x8000] =	vst v60;
	(pc) =	sbr.rel .LBB2_11-.Ltmp7, $4  }
0x9e: {  	s30 =	sor.u32 $0x300, s22;
	vm15 =	veq.s32 v9, v7;
	v62 =	vnsel vm14, $0x0, v8;
	[tilespmem:s29+$0x8000] =	vst v61  }
0x9f: {  	s31 =	sor.u32 $0x380, s22;
	s16 =	sshll.u32 s16, $0xE;
	v63 =	vnsel vm15, $0x0, v8;
	[tilespmem:s30+$0x8000] =	vst v62  }
0xa0: {  	s16 =	sadd.s32 s16, s6;
	[tilespmem:s31+$0x8000] =	vst v63  }
0xa1: {  	[hbm4b:s16+s2] =	stream.linear.scatter [tilespmem:s12], [sflag:$0x2], $0x8000, $0x38;
	[tilespmem:$0x12000] =	vst v63  }
.LBB2_3:
.Ltmp8:
0xa2: {  	(pc) =	sbr.rel @p0 .LBB2_11-.Ltmp8, $1  }
0xa3: {  	_ =	sdelay $0x3  }
0xa4: {  	p0 =	slt.u32 s15, $0x2  }
0xa5: {  	s17 =	simm.s32 @!p0 $0x1  }
0xa6: {  	_ =	swait.ge @!p0 [sflag:s17], $0x8000  }
0xa7: {  	[sflag:s17] =	ssyncset.done @!p0 $0x0  }
0xa8: {  	[sflag:s17] =	ssyncadd.s32 @!p0 $0xFFFF8000;
	s17 =	simm.s32 $0x10000  }
0xa9: {  	s18 =	simm.s32 $0x11000;
	v8 =	vld [tilespmem:s17+$0x0]  }
0xaa: {  	v9 =	vld [tilespmem:s18+$0x0];
	_ =	sdelay $0x2  }
0xab: {  	v0 =	vmov s21;
	s19 =	sor.u32 $0x1, s21;
	s22 =	sor.u32 $0x2, s21;
	s18 =	simm.s32 $0x0  }
0xac: {  	s23 =	sor.u32 $0x3, s21;
	v1 =	vmov s19;
	s20 =	sand.u32 $0x40, s18;
	s19 =	sand.u32 $0x7C00, s18;
	vm0 =	veq.s32 v8, v0  }
0xad: {  	s24 =	simm.s32 $0x1;
	v2 =	vmov s23;
	p0 =	por $0x0, $0x0;
	s29 =	sor.u32 s20, s19;
	vm1 =	veq.s32 v8, v1;
	v3 =	vnsel vm0, $0x0, v9  }
0xae: {  	s30 =	sor.u32 $0x4, s21;
	v5 =	vmov s22;
	s24 =	simm.s32 @!p0 $0x0;
	vm6 =	veq.s32 v8, v2;
	v4 =	vnsel vm1, $0x0, v9;
	[tilespmem:s29+$0x0] =	vst v3  }
0xaf: {  	s31 =	sor.u32 $0x5, s21;
	s24 =	sshll.u32 s24, $0x6;
	vm7 =	veq.s32 v8, v5;
	v6 =	vnsel vm6, $0x0, v9;
	v3 =	vmov s30;
	[tilespmem:s29+$0x80] =	vst v4  }
0xb0: {  	s25 =	sor.u32 $0x6, s21;
	s22 =	sadd.s32 $0x0, s24;
	v7 =	vnsel vm7, $0x0, v9;
	v4 =	vmov s31;
	[tilespmem:s29+$0x180] =	vst v6;
	vm8 =	veq.s32 v8, v3  }
0xb1: {  	s26 =	sor.u32 $0x200, s22;
	v6 =	vmov s25;
	s25 =	sor.u32 $0x7, s21;
	[tilespmem:s29+$0x100] =	vst v7;
	vm9 =	veq.s32 v8, v4;
	v10 =	vnsel vm8, $0x0, v9  }
0xb2: {  	s28 =	sor.u32 $0x280, s22;
	v7 =	vmov s25;
	vm10 =	veq.s32 v8, v6;
	v11 =	vnsel vm9, $0x0, v9;
	[tilespmem:s26+$0x0] =	vst v10  }
0xb3: {  	s29 =	sor.u32 $0x300, s22;
	vm11 =	veq.s32 v8, v7;
	v8 =	vnsel vm10, $0x0, v9;
	[tilespmem:s28+$0x0] =	vst v11  }
0xb4: {  	s24 =	sor.u32 $0x380, s22;
	s30 =	sor.u32 $0x10, s20;
	s21 =	sand.u32 $0xF80, s18;
	v9 =	vnsel vm11, $0x0, v9;
	[tilespmem:s29+$0x0] =	vst v8  }
0xb5: {  	s31 =	sor.u32 s21, s30;
	[tilespmem:s24+$0x0] =	vst v9  }
0xb6: {  	v8 =	vld [tilespmem:s31+$0x10000]  }
0xb7: {  	v9 =	vld [tilespmem:s31+$0x11000];
	_ =	sdelay $0x3  }
0xb8: {  	vm12 =	veq.s32 v8, v0  }
0xb9: {  	s23 =	sor.u32 s30, s19;
	vm13 =	veq.s32 v8, v1;
	v10 =	vnsel vm12, $0x0, v9  }
0xba: {  	vm14 =	veq.s32 v8, v2;
	v11 =	vnsel vm13, $0x0, v9;
	[tilespmem:s23+$0x0] =	vst v10  }
0xbb: {  	vm15 =	veq.s32 v8, v5;
	v10 =	vnsel vm14, $0x0, v9;
	[tilespmem:s23+$0x80] =	vst v11  }
0xbc: {  	s25 =	sadd.s32 $0x10, s22;
	vm4 =	veq.s32 v8, v3;
	v11 =	vnsel vm15, $0x0, v9;
	[tilespmem:s23+$0x180] =	vst v10  }
0xbd: {  	s26 =	sor.u32 $0x200, s25;
	vm5 =	veq.s32 v8, v4;
	v10 =	vnsel vm4, $0x0, v9;
	[tilespmem:s23+$0x100] =	vst v11  }
0xbe: {  	s28 =	sor.u32 $0x280, s25;
	vm6 =	veq.s32 v8, v6;
	v11 =	vnsel vm5, $0x0, v9;
	[tilespmem:s26+$0x0] =	vst v10  }
0xbf: {  	s29 =	sor.u32 $0x300, s25;
	vm7 =	veq.s32 v8, v7;
	v10 =	vnsel vm6, $0x0, v9;
	[tilespmem:s28+$0x0] =	vst v11  }
0xc0: {  	s30 =	sor.u32 $0x20, s20;
	s31 =	sor.u32 $0x380, s25;
	v8 =	vnsel vm7, $0x0, v9;
	[tilespmem:s29+$0x0] =	vst v10  }
0xc1: {  	s24 =	sor.u32 s21, s30;
	[tilespmem:s31+$0x0] =	vst v8  }
0xc2: {  	v8 =	vld [tilespmem:s24+$0x10000]  }
0xc3: {  	v9 =	vld [tilespmem:s24+$0x11000];
	_ =	sdelay $0x3  }
0xc4: {  	vm8 =	veq.s32 v8, v0  }
0xc5: {  	s26 =	sor.u32 s30, s19;
	vm10 =	veq.s32 v8, v5;
	v10 =	vnsel vm8, $0x0, v9  }
0xc6: {  	vm9 =	veq.s32 v8, v2;
	v11 =	vnsel vm10, $0x0, v9;
	[tilespmem:s26+$0x0] =	vst v10  }
0xc7: {  	vm11 =	veq.s32 v8, v1;
	v10 =	vnsel vm9, $0x0, v9;
	[tilespmem:s26+$0x100] =	vst v11  }
0xc8: {  	s28 =	sadd.s32 $0x20, s22;
	vm12 =	veq.s32 v8, v3;
	[tilespmem:s26+$0x180] =	vst v10;
	v10 =	vnsel vm11, $0x0, v9  }
0xc9: {  	s29 =	sor.u32 $0x200, s28;
	vm13 =	veq.s32 v8, v4;
	v11 =	vnsel vm12, $0x0, v9;
	[tilespmem:s26+$0x80] =	vst v10  }
0xca: {  	s30 =	sor.u32 $0x280, s28;
	vm14 =	veq.s32 v8, v6;
	v10 =	vnsel vm13, $0x0, v9;
	[tilespmem:s29+$0x0] =	vst v11  }
0xcb: {  	s31 =	sor.u32 $0x300, s28;
	vm15 =	veq.s32 v8, v7;
	v11 =	vnsel vm14, $0x0, v9;
	[tilespmem:s30+$0x0] =	vst v10  }
0xcc: {  	s23 =	sor.u32 $0x30, s20;
	s24 =	sor.u32 $0x380, s28;
	v8 =	vnsel vm15, $0x0, v9;
	[tilespmem:s31+$0x0] =	vst v11  }
0xcd: {  	s21 =	sor.u32 s21, s23;
	[tilespmem:s24+$0x0] =	vst v8  }
0xce: {  	v9 =	vld [tilespmem:s21+$0x10000]  }
0xcf: {  	s20 =	simm.s32 $0x200;
	s22 =	sadd.s32 $0x30, s22;
	v8 =	vld [tilespmem:s21+$0x11000];
	s21 =	simm.s32 $0x11040  }
.LBB2_5:
0xd0: {  	p0 =	por !p0, !p0;
	s18 =	sadd.s32 $0x40, s18;
	s17 =	sadd.s32 $0x40, s17  }
0xd1: {  	p1 =	sne.s32 s20, $0x7E00;
	s24 =	smov.u32 s20;
	s20 =	sadd.s32 $0x200, s20  }
0xd2: {  	_ = 	snop  }
0xd3: {  	vm0 =	veq.s32 v9, v0;
	vm1 =	veq.s32 v9, v1;
	vm2 =	veq.s32 v9, v5  }
0xd4: {  	s19 =	sor.u32 s23, s19;
	v10 =	vnsel vm0, $0x0, v8;
	v11 =	vnsel vm1, $0x0, v8;
	vm0 =	veq.s32 v9, v2  }
0xd5: {  	v12 =	vnsel vm0, $0x0, v8;
	vm0 =	veq.s32 v9, v3;
	[tilespmem:s19+$0x0] =	vst v10;
	v10 =	vnsel vm2, $0x0, v8  }
0xd6: {  	vm1 =	veq.s32 v9, v6;
	[tilespmem:s19+$0x100] =	vst v10;
	v10 =	vnsel vm0, $0x0, v8;
	vm0 =	veq.s32 v9, v4  }
0xd7: {  	s23 =	sor.u32 $0x200, s22;
	v13 =	vnsel vm1, $0x0, v8;
	[tilespmem:s19+$0x80] =	vst v11;
	v11 =	vnsel vm0, $0x0, v8;
	vm0 =	veq.s32 v9, v7  }
0xd8: {  	[tilespmem:s19+$0x180] =	vst v12;
	s19 =	sor.u32 $0x280, s22;
	v8 =	vnsel vm0, $0x0, v8  }
0xd9: {  	[tilespmem:s23+$0x0] =	vst v10;
	s23 =	sor.u32 $0x300, s22  }
0xda: {  	[tilespmem:s19+$0x0] =	vst v11;
	s19 =	sor.u32 $0x380, s22  }
0xdb: {  	[tilespmem:s23+$0x0] =	vst v13  }
0xdc: {  	[tilespmem:s19+$0x0] =	vst v8  }
0xdd: {  	v8 =	vld [tilespmem:s17+$0x0]  }
0xde: {  	v9 =	vld [tilespmem:s21+$0x0];
	_ =	sdelay $0x3  }
0xdf: {  	s26 =	simm.s32 $0x1;
	s23 =	sand.u32 $0x40, s18;
	s19 =	sand.u32 $0x7C00, s24;
	vm0 =	veq.s32 v8, v0;
	vm1 =	veq.s32 v8, v1;
	vm2 =	veq.s32 v8, v4  }
0xe0: {  	s28 =	sor.u32 $0x10, s23;
	s25 =	sor.u32 $0x20, s23;
	s22 =	sor.u32 s23, s19;
	vm3 =	veq.s32 v8, v3;
	v10 =	vnsel vm0, $0x0, v9;
	vm0 =	veq.s32 v8, v2  }
0xe1: {  	s26 =	simm.s32 @!p0 $0x0;
	[tilespmem:s22+$0x0] =	vst v10;
	v10 =	vnsel vm1, $0x0, v9;
	vm1 =	veq.s32 v8, v5;
	v11 =	vnsel vm0, $0x0, v9  }
0xe2: {  	s26 =	sshll.u32 s26, $0x6;
	v12 =	vnsel vm3, $0x0, v9;
	v13 =	vnsel vm2, $0x0, v9;
	[tilespmem:s22+$0x80] =	vst v10;
	v10 =	vnsel vm1, $0x0, v9  }
0xe3: {  	s26 =	sadd.s32 s26, s24;
	vm0 =	veq.s32 v8, v6;
	vm1 =	veq.s32 v8, v7;
	[tilespmem:s22+$0x180] =	vst v11  }
0xe4: {  	s29 =	sadd.s32 $0x10, s26;
	s24 =	sadd.s32 $0x20, s26;
	v8 =	vnsel vm0, $0x0, v9;
	v9 =	vnsel vm1, $0x0, v9;
	[tilespmem:s22+$0x100] =	vst v10;
	s22 =	sor.u32 $0x200, s26  }
0xe5: {  	s30 =	sor.u32 $0x280, s26;
	[tilespmem:s22+$0x0] =	vst v12;
	s22 =	sadd.s32 $0x30, s26  }
0xe6: {  	[tilespmem:s30+$0x0] =	vst v13;
	s30 =	sor.u32 $0x300, s26  }
0xe7: {  	[tilespmem:s30+$0x0] =	vst v8;
	s30 =	sor.u32 $0x380, s26;
	s26 =	sand.u32 $0xF80, s18  }
0xe8: {  	[tilespmem:s30+$0x0] =	vst v9;
	s30 =	sor.u32 s26, s28  }
0xe9: {  	v8 =	vld [tilespmem:s30+$0x10000]  }
0xea: {  	v9 =	vld [tilespmem:s30+$0x11000];
	_ =	sdelay $0x3  }
0xeb: {  	vm0 =	veq.s32 v8, v0;
	vm1 =	veq.s32 v8, v1;
	vm2 =	veq.s32 v8, v5  }
0xec: {  	s28 =	sor.u32 s28, s19;
	v10 =	vnsel vm0, $0x0, v9;
	v11 =	vnsel vm1, $0x0, v9;
	vm0 =	veq.s32 v8, v2  }
0xed: {  	[tilespmem:s28+$0x0] =	vst v10;
	v10 =	vnsel vm2, $0x0, v9;
	v12 =	vnsel vm0, $0x0, v9;
	vm0 =	veq.s32 v8, v3  }
0xee: {  	vm1 =	veq.s32 v8, v6;
	[tilespmem:s28+$0x80] =	vst v11;
	v11 =	vnsel vm0, $0x0, v9;
	vm0 =	veq.s32 v8, v4  }
0xef: {  	v13 =	vnsel vm1, $0x0, v9;
	[tilespmem:s28+$0x180] =	vst v12;
	v12 =	vnsel vm0, $0x0, v9;
	vm0 =	veq.s32 v8, v7  }
0xf0: {  	[tilespmem:s28+$0x100] =	vst v10;
	s28 =	sor.u32 $0x200, s29;
	v8 =	vnsel vm0, $0x0, v9  }
0xf1: {  	[tilespmem:s28+$0x0] =	vst v11;
	s28 =	sor.u32 $0x280, s29  }
0xf2: {  	[tilespmem:s28+$0x0] =	vst v12;
	s28 =	sor.u32 $0x300, s29  }
0xf3: {  	[tilespmem:s28+$0x0] =	vst v13;
	s28 =	sor.u32 $0x380, s29  }
0xf4: {  	[tilespmem:s28+$0x0] =	vst v8;
	s28 =	sor.u32 s26, s25  }
0xf5: {  	v8 =	vld [tilespmem:s28+$0x10000]  }
0xf6: {  	v9 =	vld [tilespmem:s28+$0x11000];
	_ =	sdelay $0x3  }
0xf7: {  	vm0 =	veq.s32 v8, v0;
	vm1 =	veq.s32 v8, v1;
	vm2 =	veq.s32 v8, v5  }
0xf8: {  	s25 =	sor.u32 s25, s19;
	v10 =	vnsel vm0, $0x0, v9;
	v11 =	vnsel vm2, $0x0, v9;
	vm0 =	veq.s32 v8, v2  }
0xf9: {  	[tilespmem:s25+$0x0] =	vst v10;
	v10 =	vnsel vm1, $0x0, v9;
	v12 =	vnsel vm0, $0x0, v9;
	vm0 =	veq.s32 v8, v3  }
0xfa: {  	vm1 =	veq.s32 v8, v6;
	[tilespmem:s25+$0x180] =	vst v12;
	v12 =	vnsel vm0, $0x0, v9;
	vm0 =	veq.s32 v8, v4  }
0xfb: {  	v13 =	vnsel vm1, $0x0, v9;
	[tilespmem:s25+$0x100] =	vst v11;
	v11 =	vnsel vm0, $0x0, v9;
	vm0 =	veq.s32 v8, v7  }
0xfc: {  	[tilespmem:s25+$0x80] =	vst v10;
	s25 =	sor.u32 $0x200, s24;
	v8 =	vnsel vm0, $0x0, v9  }
0xfd: {  	[tilespmem:s25+$0x0] =	vst v12;
	s25 =	sor.u32 $0x280, s24  }
.Ltmp9:
0xfe: {  	[tilespmem:s25+$0x0] =	vst v11;
	s25 =	sor.u32 $0x300, s24;
	(pc) =	sbr.rel @p1 .LBB2_5-.Ltmp9, $4  }
0xff: {  	s23 =	sor.u32 $0x30, s23;
	s24 =	sor.u32 $0x380, s24;
	[tilespmem:s25+$0x0] =	vst v13  }
0x100: {  	[tilespmem:s24+$0x0] =	vst v8;
	s24 =	sor.u32 s26, s23  }
0x101: {  	v9 =	vld [tilespmem:s24+$0x10000]  }
0x102: {  	s21 =	sadd.s32 $0x40, s21;
	v8 =	vld [tilespmem:s24+$0x11000]  }
.Ltmp10:
0x103: {  	_ = 	snop;
	(pc) =	sbr.rel .LBB2_6-.Ltmp10, $1  }
0x104: {  	_ =	sdelay $0x3  }
.LBB2_13:
0x105: {  	_ =	sfence.sel $0x180000  }
0x106: {  	[bflag:$0x0] =	sbarrier.arrive $0xFFFF  }
0x107: {  	p0 =	sne.s32 s1, $0x0;
	_ =	strace $0x90000047  }
0x108: {  	s0 =	sadd.s32 @!p0 $0x100000, s0;
	[bflag:$0x2] =	sbarrier.arrive $0xFFFF  }
0x109: {  	[sflag:s0] =	ssyncadd.tile.s32 @!p0 $0x1;
	_ =	shalt  }
.Lfunc_end2:
_tile_overlayer_lowered:
.L_overlay_start_2:
0x10a: {  	(tag) =	ssettag $0x2  }
0x10b: {  	s0 =	rddreg [dreg:$0x0];
	s2 =	stileid.u32  }
0x10c: {  	s1 =	rddreg [dreg:$0x1];
	p0 =	sne.s32 s2, $0x0  }
0x10d: {  	s3 =	rddreg [dreg:$0x2];
	[bflag:$0x3] =	sbarrier.arrive $0xFFFF;
	s2 =	simm.s32 @!p0 $0x1C03  }
0x10e: {  	[timem:s3], [sflag:s2] =	dma.local @!p0 [hbm:s0], s1  }
0x10f: {  	s0 =	simm.s32 @!p0 $0x3  }
0x110: {  	_ =	swait.ge @!p0 [sflag:s0], s1  }
0x111: {  	s1 =	ssub.s32 @!p0 $0x0, s1;
	[sflag:s0] =	ssyncset.done @!p0 $0x0  }
0x112: {  	[sflag:s0] =	ssyncadd.s32 @!p0 s1  }
0x113: {  	[bflag:$0x3] =	sbarrier.arrive $0xFFFF  }
0x114: {  	_ =	shalt  }

</sc_bundles>
